<compile_context>
chip_gen: v7x
topology: tpu7x:2x2x1
jax: 0.10.2.dev20260603
libtpu: 0.0.44.dev20260713+nightly
codegen_flags: <defaults>
</compile_context>

<pallas_src>
import jax
import jax.numpy as jnp
from jax import lax
from jax.experimental import pallas as pl
from jax.experimental.pallas import tpu as pltpu
from jax.experimental.pallas import tpu_sc as plsc

CHUNK = 128
NBUF = 7
PAHEAD = 4
GAHEAD = 3


def kernel(tokens, word_table, pos_table):
    B, S = tokens.shape
    V, D = word_table.shape
    N = B * S

    info = plsc.get_sparse_core_info()
    NC, NS = info.num_cores, info.num_subcores
    NW = NC * NS

    n_per_w = N // NW
    chunks = n_per_w // CHUNK

    tokens_1d = tokens.reshape(N).astype(jnp.int32)

    mesh = plsc.VectorSubcoreMesh(core_axis_name="c", subcore_axis_name="s")

    def body(tok_hbm, word_hbm, pos_hbm, out_hbm, idx_v, pos_sh,
             b0, b1, b2, b3, b4, b5, b6,
             p0, p1, p2, p3, p4, p5, p6,
             g0, g1, g2, g3, g4, g5, g6,
             s0, s1, s2, s3, s4, s5, s6):
        bufs = (b0, b1, b2, b3, b4, b5, b6)
        psems = (p0, p1, p2, p3, p4, p5, p6)
        gsems = (g0, g1, g2, g3, g4, g5, g6)
        ssems = (s0, s1, s2, s3, s4, s5, s6)

        sid = lax.axis_index("s")
        wid = sid * NC + lax.axis_index("c")
        base = wid * n_per_w

        def idx_sl(k):
            return idx_v.at[pl.ds(k * CHUNK, CHUNK)]

        def out_sl(k):
            return out_hbm.at[pl.ds(base + k * CHUNK, CHUNK)]

        def pos_sl(k):
            return pos_sh.at[pl.ds(lax.rem(k * CHUNK, S), CHUNK)]

        def prefill(k, b):
            pltpu.async_copy(pos_sl(k), bufs[b], psems[b])

        def wait_prefill(k, b):
            pltpu.make_async_copy(pos_sl(k), bufs[b], psems[b]).wait()

        def gather_add(k, b):
            pltpu.async_copy(word_hbm.at[idx_sl(k)], bufs[b], gsems[b], add=True)

        def wait_gather(k, b):
            pltpu.make_async_copy(word_hbm.at[idx_sl(k)], bufs[b], gsems[b]).wait()

        def store(k, b):
            pltpu.async_copy(bufs[b], out_sl(k), ssems[b])

        def wait_store(k, b):
            pltpu.make_async_copy(bufs[b], out_sl(k), ssems[b]).wait()

        @pl.when(sid == 0)
        def _():
            pltpu.sync_copy(pos_hbm, pos_sh.at[pl.ds(0, S)])
            pltpu.sync_copy(pos_hbm, pos_sh.at[pl.ds(S, S)])
        pltpu.sync_copy(tok_hbm.at[pl.ds(base, n_per_w)], idx_v)
        plsc.subcore_barrier()

        for j in range(PAHEAD):
            prefill(j, j)
        for j in range(GAHEAD):
            wait_prefill(j, j)
            gather_add(j, j)

        def group(i, carry):
            for b in range(NBUF):
                k = i * NBUF + b
                bp = (b + PAHEAD) % NBUF
                bg = (b + GAHEAD) % NBUF

                @pl.when(k + PAHEAD < chunks)
                def _():
                    @pl.when(k + PAHEAD - NBUF >= 0)
                    def _():
                        wait_store(k + PAHEAD - NBUF, bp)
                    prefill(k + PAHEAD, bp)

                @pl.when(k + GAHEAD < chunks)
                def _():
                    wait_prefill(k + GAHEAD, bg)
                    gather_add(k + GAHEAD, bg)

                wait_gather(k, b)
                store(k, b)
            return carry

        lax.fori_loop(0, chunks // NBUF, group, 0)
        for k in range(chunks - chunks % NBUF, chunks):
            b = k % NBUF
            if k + PAHEAD < chunks:
                bp = (k + PAHEAD) % NBUF
                if k + PAHEAD - NBUF >= 0:
                    wait_store(k + PAHEAD - NBUF, bp)
                prefill(k + PAHEAD, bp)
            if k + GAHEAD < chunks:
                bg = (k + GAHEAD) % NBUF
                wait_prefill(k + GAHEAD, bg)
                gather_add(k + GAHEAD, bg)
            wait_gather(k, b)
            store(k, b)
        for j in range(chunks - NBUF, chunks):
            wait_store(j, j % NBUF)

    f = pl.kernel(
        body,
        out_type=jax.ShapeDtypeStruct((N, D), jnp.float32),
        mesh=mesh,
        scratch_types=(
            [pltpu.VMEM((n_per_w,), jnp.int32),
             pltpu.VMEM_SHARED((2 * S, D), jnp.float32)]
            + [pltpu.VMEM((CHUNK, D), jnp.float32) for _ in range(NBUF)]
            + [pltpu.SemaphoreType.DMA for _ in range(3 * NBUF)]
        ),
    )
    out = f(tokens_1d, word_table, pos_table)
    return out.reshape(B, S, D)

# --- scband reference (transcript-rebuilt; emitter-appended) ---
"""Pipeline reference for scband-basic-text-tokenizer-76295799046797 (READ-ONLY COPY).

The authoritative reference and input builder live on the scoring server;
editing this copy changes nothing except your own understanding.
"""

import jax, jax.numpy as jnp
import numpy as np

VOCAB = 100000
MAX_POS = 200
EMBED_DIM = 128
BATCH = 1024
SEQ = 200

def setup_inputs(seed: int = 0) -> dict:
    key = jax.random.key(seed)
    k_tok, k_word, k_pos = jax.random.split(key, 3)
    tokens = jax.random.randint(k_tok, (BATCH, SEQ), 0, VOCAB, dtype=jnp.int64 if jax.config.jax_enable_x64 else jnp.int32)
    word_table = jax.random.normal(k_word, (VOCAB, EMBED_DIM), dtype=jnp.float32) * 0.02
    pos_table = jax.random.normal(k_pos, (MAX_POS, EMBED_DIM), dtype=jnp.float32) * 0.02
    return {"tokens": tokens, "word_table": word_table, "pos_table": pos_table}

def reference(tokens, word_table, pos_table):
    # word embedding lookup: gather rows of the table
    word_embeddings = jnp.take(word_table, tokens, axis=0)  # [B, S, D]
    # position embedding: positions 0..S-1 broadcast over batch
    positions = jnp.arange(tokens.shape[1])  # [S]
    position_embeddings = jnp.take(pos_table, positions, axis=0)  # [S, D]
    position_embeddings = jnp.broadcast_to(position_embeddings[None, :, :], (tokens.shape[0], tokens.shape[1], position_embeddings.shape[-1]))
    return word_embeddings + position_embeddings

if __name__ == "__main__":
    import jax
    _d = setup_inputs()
    print(jax.jit(kernel)(*tuple(_d.values())))

</pallas_src>

<mosaic_0001>
#map = affine_map<(d0, d1) -> (0)>
#map1 = affine_map<(d0, d1) -> (0, 0)>
module attributes {stable_mosaic.version = 14 : i64} {
  func.func @body(%arg0: i32, %arg1: i32, %arg2: memref<204800xi32, #tpu.memory_space<hbm>>, %arg3: memref<100000x128xf32, #tpu.memory_space<hbm>>, %arg4: memref<200x128xf32, #tpu.memory_space<hbm>>, %arg5: memref<204800x128xf32, #tpu.memory_space<hbm>>, %arg6: memref<6400xi32, #tpu.memory_space<vmem>>, %arg7: memref<400x128xf32, #tpu.memory_space<vmem_shared>>, %arg8: memref<128x128xf32, #tpu.memory_space<vmem>>, %arg9: memref<128x128xf32, #tpu.memory_space<vmem>>, %arg10: memref<128x128xf32, #tpu.memory_space<vmem>>, %arg11: memref<128x128xf32, #tpu.memory_space<vmem>>, %arg12: memref<128x128xf32, #tpu.memory_space<vmem>>, %arg13: memref<128x128xf32, #tpu.memory_space<vmem>>, %arg14: memref<128x128xf32, #tpu.memory_space<vmem>>, %arg15: memref<!tpu.dma_semaphore, #tpu.memory_space<semaphore_mem>>, %arg16: memref<!tpu.dma_semaphore, #tpu.memory_space<semaphore_mem>>, %arg17: memref<!tpu.dma_semaphore, #tpu.memory_space<semaphore_mem>>, %arg18: memref<!tpu.dma_semaphore, #tpu.memory_space<semaphore_mem>>, %arg19: memref<!tpu.dma_semaphore, #tpu.memory_space<semaphore_mem>>, %arg20: memref<!tpu.dma_semaphore, #tpu.memory_space<semaphore_mem>>, %arg21: memref<!tpu.dma_semaphore, #tpu.memory_space<semaphore_mem>>, %arg22: memref<!tpu.dma_semaphore, #tpu.memory_space<semaphore_mem>>, %arg23: memref<!tpu.dma_semaphore, #tpu.memory_space<semaphore_mem>>, %arg24: memref<!tpu.dma_semaphore, #tpu.memory_space<semaphore_mem>>, %arg25: memref<!tpu.dma_semaphore, #tpu.memory_space<semaphore_mem>>, %arg26: memref<!tpu.dma_semaphore, #tpu.memory_space<semaphore_mem>>, %arg27: memref<!tpu.dma_semaphore, #tpu.memory_space<semaphore_mem>>, %arg28: memref<!tpu.dma_semaphore, #tpu.memory_space<semaphore_mem>>, %arg29: memref<!tpu.dma_semaphore, #tpu.memory_space<semaphore_mem>>, %arg30: memref<!tpu.dma_semaphore, #tpu.memory_space<semaphore_mem>>, %arg31: memref<!tpu.dma_semaphore, #tpu.memory_space<semaphore_mem>>, %arg32: memref<!tpu.dma_semaphore, #tpu.memory_space<semaphore_mem>>, %arg33: memref<!tpu.dma_semaphore, #tpu.memory_space<semaphore_mem>>, %arg34: memref<!tpu.dma_semaphore, #tpu.memory_space<semaphore_mem>>, %arg35: memref<!tpu.dma_semaphore, #tpu.memory_space<semaphore_mem>>) attributes {dimension_semantics = [#tpu.dimension_semantics<core_parallel>, #tpu.dimension_semantics<subcore_parallel>], iteration_bounds = array<i64: 2, 16>, scalar_prefetch = 0 : i64, scratch_operands = 30 : i64, tpu.core_type = #tpu.core_type<sc_vector_subcore>, window_params = [{transform_indices = #map}, {transform_indices = #map1}, {transform_indices = #map1}, {transform_indices = #map1}]} {
    %mul3A = arith.constant 2 : i32
    %mul3A_0 = arith.muli %arg1, %mul3A : i32
    %add3A = arith.addi %mul3A_0, %arg0 : i32
    %mul3A_1 = arith.constant 6400 : i32
    %mul3A_2 = arith.muli %add3A, %mul3A_1 : i32
    %eq3A = arith.constant 0 : i32
    %eq3A_3 = arith.cmpi eq, %arg1, %eq3A : i32
    %convert_element_type3A = arith.extui %eq3A_3 : i1 to i32
    %cond3A = arith.constant 0 : i32
    %cond3A_4 = arith.cmpi ne, %convert_element_type3A, %cond3A : i32
    scf.if %cond3A_4 {
      "tpu.region"() ({
        %run_scoped3A = tpu.sem_alloc : memref<!tpu.dma_semaphore, #tpu.memory_space<semaphore_mem>>
        %dma_start3A_124 = arith.constant 0 : i32
        %dma_start3A_125 = arith.constant 0 : i32
        %dma_start3A_126 = tpu.memref_slice %arg7[%dma_start3A_124, %dma_start3A_125] : memref<400x128xf32, #tpu.memory_space<vmem_shared>> -> memref<200x128xf32, #tpu.memory_space<vmem_shared>>
        tpu.enqueue_dma source(%arg4 : memref<200x128xf32, #tpu.memory_space<hbm>>) target(%dma_start3A_126 : memref<200x128xf32, #tpu.memory_space<vmem_shared>>) target_semaphore(%run_scoped3A : memref<!tpu.dma_semaphore, #tpu.memory_space<semaphore_mem>>)
        %dma_wait3A_127 = arith.constant 0 : i32
        %dma_wait3A_128 = arith.constant 0 : i32
        %dma_wait3A_129 = tpu.memref_slice %arg7[%dma_wait3A_127, %dma_wait3A_128] : memref<400x128xf32, #tpu.memory_space<vmem_shared>> -> memref<200x128xf32, #tpu.memory_space<vmem_shared>>
        tpu.wait_dma2 semaphore(%run_scoped3A : memref<!tpu.dma_semaphore, #tpu.memory_space<semaphore_mem>>) src(%arg4 : memref<200x128xf32, #tpu.memory_space<hbm>>) dst(%dma_wait3A_129 : memref<200x128xf32, #tpu.memory_space<vmem_shared>>)
        tpu.yield
      }) : () -> ()
      "tpu.region"() ({
        %run_scoped3A = tpu.sem_alloc : memref<!tpu.dma_semaphore, #tpu.memory_space<semaphore_mem>>
        %dma_start3A_124 = arith.constant 200 : i32
        %dma_start3A_125 = arith.constant 0 : i32
        %dma_start3A_126 = tpu.memref_slice %arg7[%dma_start3A_124, %dma_start3A_125] : memref<400x128xf32, #tpu.memory_space<vmem_shared>> -> memref<200x128xf32, #tpu.memory_space<vmem_shared>>
        tpu.enqueue_dma source(%arg4 : memref<200x128xf32, #tpu.memory_space<hbm>>) target(%dma_start3A_126 : memref<200x128xf32, #tpu.memory_space<vmem_shared>>) target_semaphore(%run_scoped3A : memref<!tpu.dma_semaphore, #tpu.memory_space<semaphore_mem>>)
        %dma_wait3A_127 = arith.constant 200 : i32
        %dma_wait3A_128 = arith.constant 0 : i32
        %dma_wait3A_129 = tpu.memref_slice %arg7[%dma_wait3A_127, %dma_wait3A_128] : memref<400x128xf32, #tpu.memory_space<vmem_shared>> -> memref<200x128xf32, #tpu.memory_space<vmem_shared>>
        tpu.wait_dma2 semaphore(%run_scoped3A : memref<!tpu.dma_semaphore, #tpu.memory_space<semaphore_mem>>) src(%arg4 : memref<200x128xf32, #tpu.memory_space<hbm>>) dst(%dma_wait3A_129 : memref<200x128xf32, #tpu.memory_space<vmem_shared>>)
        tpu.yield
      }) : () -> ()
    } else {
    }
    "tpu.region"() ({
      %run_scoped3A = tpu.sem_alloc : memref<!tpu.dma_semaphore, #tpu.memory_space<semaphore_mem>>
      %dma_start3A_124 = tpu.memref_slice %arg2[%mul3A_2] : memref<204800xi32, #tpu.memory_space<hbm>> -> memref<6400xi32, #tpu.memory_space<hbm>>
      %dma_start3A_125 = tpu.memref_slice %arg2[%mul3A_2] : memref<204800xi32, #tpu.memory_space<hbm>> -> memref<6400xi32, #tpu.memory_space<hbm>>
      tpu.enqueue_dma source(%dma_start3A_125 : memref<6400xi32, #tpu.memory_space<hbm>>) target(%arg6 : memref<6400xi32, #tpu.memory_space<vmem>>) target_semaphore(%run_scoped3A : memref<!tpu.dma_semaphore, #tpu.memory_space<semaphore_mem>>)
      %dma_wait3A_126 = tpu.memref_slice %arg2[%mul3A_2] : memref<204800xi32, #tpu.memory_space<hbm>> -> memref<6400xi32, #tpu.memory_space<hbm>>
      %dma_wait3A_127 = tpu.memref_slice %arg2[%mul3A_2] : memref<204800xi32, #tpu.memory_space<hbm>> -> memref<6400xi32, #tpu.memory_space<hbm>>
      tpu.wait_dma2 semaphore(%run_scoped3A : memref<!tpu.dma_semaphore, #tpu.memory_space<semaphore_mem>>) src(%dma_wait3A_127 : memref<6400xi32, #tpu.memory_space<hbm>>) dst(%arg6 : memref<6400xi32, #tpu.memory_space<vmem>>)
      tpu.yield
    }) : () -> ()
    %barrier3A = arith.constant 0 : index
    tpu.barrier barrier_id(%barrier3A)
    %rem3A = arith.constant 0 : i32
    %rem3A_5 = arith.constant 200 : i32
    %rem3A_6 = arith.remsi %rem3A, %rem3A_5 : i32
    %dma_start3A = arith.constant 0 : i32
    %dma_start3A_7 = tpu.memref_slice %arg7[%rem3A_6, %dma_start3A] : memref<400x128xf32, #tpu.memory_space<vmem_shared>> -> memref<128x128xf32, #tpu.memory_space<vmem_shared>>
    %dma_start3A_8 = arith.constant 0 : i32
    %dma_start3A_9 = tpu.memref_slice %arg7[%rem3A_6, %dma_start3A_8] : memref<400x128xf32, #tpu.memory_space<vmem_shared>> -> memref<128x128xf32, #tpu.memory_space<vmem_shared>>
    tpu.enqueue_dma source(%dma_start3A_9 : memref<128x128xf32, #tpu.memory_space<vmem_shared>>) target(%arg8 : memref<128x128xf32, #tpu.memory_space<vmem>>) target_semaphore(%arg15 : memref<!tpu.dma_semaphore, #tpu.memory_space<semaphore_mem>>)
    %rem3A_10 = arith.constant 128 : i32
    %rem3A_11 = arith.constant 200 : i32
    %rem3A_12 = arith.remsi %rem3A_10, %rem3A_11 : i32
    %dma_start3A_13 = arith.constant 0 : i32
    %dma_start3A_14 = tpu.memref_slice %arg7[%rem3A_12, %dma_start3A_13] : memref<400x128xf32, #tpu.memory_space<vmem_shared>> -> memref<128x128xf32, #tpu.memory_space<vmem_shared>>
    %dma_start3A_15 = arith.constant 0 : i32
    %dma_start3A_16 = tpu.memref_slice %arg7[%rem3A_12, %dma_start3A_15] : memref<400x128xf32, #tpu.memory_space<vmem_shared>> -> memref<128x128xf32, #tpu.memory_space<vmem_shared>>
    tpu.enqueue_dma source(%dma_start3A_16 : memref<128x128xf32, #tpu.memory_space<vmem_shared>>) target(%arg9 : memref<128x128xf32, #tpu.memory_space<vmem>>) target_semaphore(%arg16 : memref<!tpu.dma_semaphore, #tpu.memory_space<semaphore_mem>>)
    %rem3A_17 = arith.constant 256 : i32
    %rem3A_18 = arith.constant 200 : i32
    %rem3A_19 = arith.remsi %rem3A_17, %rem3A_18 : i32
    %dma_start3A_20 = arith.constant 0 : i32
    %dma_start3A_21 = tpu.memref_slice %arg7[%rem3A_19, %dma_start3A_20] : memref<400x128xf32, #tpu.memory_space<vmem_shared>> -> memref<128x128xf32, #tpu.memory_space<vmem_shared>>
    %dma_start3A_22 = arith.constant 0 : i32
    %dma_start3A_23 = tpu.memref_slice %arg7[%rem3A_19, %dma_start3A_22] : memref<400x128xf32, #tpu.memory_space<vmem_shared>> -> memref<128x128xf32, #tpu.memory_space<vmem_shared>>
    tpu.enqueue_dma source(%dma_start3A_23 : memref<128x128xf32, #tpu.memory_space<vmem_shared>>) target(%arg10 : memref<128x128xf32, #tpu.memory_space<vmem>>) target_semaphore(%arg17 : memref<!tpu.dma_semaphore, #tpu.memory_space<semaphore_mem>>)
    %rem3A_24 = arith.constant 384 : i32
    %rem3A_25 = arith.constant 200 : i32
    %rem3A_26 = arith.remsi %rem3A_24, %rem3A_25 : i32
    %dma_start3A_27 = arith.constant 0 : i32
    %dma_start3A_28 = tpu.memref_slice %arg7[%rem3A_26, %dma_start3A_27] : memref<400x128xf32, #tpu.memory_space<vmem_shared>> -> memref<128x128xf32, #tpu.memory_space<vmem_shared>>
    %dma_start3A_29 = arith.constant 0 : i32
    %dma_start3A_30 = tpu.memref_slice %arg7[%rem3A_26, %dma_start3A_29] : memref<400x128xf32, #tpu.memory_space<vmem_shared>> -> memref<128x128xf32, #tpu.memory_space<vmem_shared>>
    tpu.enqueue_dma source(%dma_start3A_30 : memref<128x128xf32, #tpu.memory_space<vmem_shared>>) target(%arg11 : memref<128x128xf32, #tpu.memory_space<vmem>>) target_semaphore(%arg18 : memref<!tpu.dma_semaphore, #tpu.memory_space<semaphore_mem>>)
    %rem3A_31 = arith.constant 0 : i32
    %rem3A_32 = arith.constant 200 : i32
    %rem3A_33 = arith.remsi %rem3A_31, %rem3A_32 : i32
    %dma_wait3A = arith.constant 0 : i32
    %dma_wait3A_34 = tpu.memref_slice %arg7[%rem3A_33, %dma_wait3A] : memref<400x128xf32, #tpu.memory_space<vmem_shared>> -> memref<128x128xf32, #tpu.memory_space<vmem_shared>>
    %dma_wait3A_35 = arith.constant 0 : i32
    %dma_wait3A_36 = tpu.memref_slice %arg7[%rem3A_33, %dma_wait3A_35] : memref<400x128xf32, #tpu.memory_space<vmem_shared>> -> memref<128x128xf32, #tpu.memory_space<vmem_shared>>
    tpu.wait_dma2 semaphore(%arg15 : memref<!tpu.dma_semaphore, #tpu.memory_space<semaphore_mem>>) src(%dma_wait3A_36 : memref<128x128xf32, #tpu.memory_space<vmem_shared>>) dst(%arg8 : memref<128x128xf32, #tpu.memory_space<vmem>>)
    %dma_start3A_37 = arith.constant 0 : i32
    %dma_start3A_38 = tpu.memref_slice %arg6[%dma_start3A_37] : memref<6400xi32, #tpu.memory_space<vmem>> -> memref<128xi32, #tpu.memory_space<vmem>>
    %dma_start3A_39 = arith.constant 0 : i32
    %dma_start3A_40 = arith.constant 0 : i32
    %dma_start3A_41 = tpu.memref_slice %arg3[%dma_start3A_39, %dma_start3A_40] : memref<100000x128xf32, #tpu.memory_space<hbm>> -> memref<100000x128xf32, #tpu.memory_space<hbm>>
    tpu.enqueue_indirect_dma source(%dma_start3A_41 : memref<100000x128xf32, #tpu.memory_space<hbm>>) target(%arg8 : memref<128x128xf32, #tpu.memory_space<vmem>>) offsets(%dma_start3A_38 : memref<128xi32, #tpu.memory_space<vmem>>) semaphore(%arg22 : memref<!tpu.dma_semaphore, #tpu.memory_space<semaphore_mem>>) {add = true}
    %rem3A_42 = arith.constant 128 : i32
    %rem3A_43 = arith.constant 200 : i32
    %rem3A_44 = arith.remsi %rem3A_42, %rem3A_43 : i32
    %dma_wait3A_45 = arith.constant 0 : i32
    %dma_wait3A_46 = tpu.memref_slice %arg7[%rem3A_44, %dma_wait3A_45] : memref<400x128xf32, #tpu.memory_space<vmem_shared>> -> memref<128x128xf32, #tpu.memory_space<vmem_shared>>
    %dma_wait3A_47 = arith.constant 0 : i32
    %dma_wait3A_48 = tpu.memref_slice %arg7[%rem3A_44, %dma_wait3A_47] : memref<400x128xf32, #tpu.memory_space<vmem_shared>> -> memref<128x128xf32, #tpu.memory_space<vmem_shared>>
    tpu.wait_dma2 semaphore(%arg16 : memref<!tpu.dma_semaphore, #tpu.memory_space<semaphore_mem>>) src(%dma_wait3A_48 : memref<128x128xf32, #tpu.memory_space<vmem_shared>>) dst(%arg9 : memref<128x128xf32, #tpu.memory_space<vmem>>)
    %dma_start3A_49 = arith.constant 128 : i32
    %dma_start3A_50 = tpu.memref_slice %arg6[%dma_start3A_49] : memref<6400xi32, #tpu.memory_space<vmem>> -> memref<128xi32, #tpu.memory_space<vmem>>
    %dma_start3A_51 = arith.constant 0 : i32
    %dma_start3A_52 = arith.constant 0 : i32
    %dma_start3A_53 = tpu.memref_slice %arg3[%dma_start3A_51, %dma_start3A_52] : memref<100000x128xf32, #tpu.memory_space<hbm>> -> memref<100000x128xf32, #tpu.memory_space<hbm>>
    tpu.enqueue_indirect_dma source(%dma_start3A_53 : memref<100000x128xf32, #tpu.memory_space<hbm>>) target(%arg9 : memref<128x128xf32, #tpu.memory_space<vmem>>) offsets(%dma_start3A_50 : memref<128xi32, #tpu.memory_space<vmem>>) semaphore(%arg23 : memref<!tpu.dma_semaphore, #tpu.memory_space<semaphore_mem>>) {add = true}
    %rem3A_54 = arith.constant 256 : i32
    %rem3A_55 = arith.constant 200 : i32
    %rem3A_56 = arith.remsi %rem3A_54, %rem3A_55 : i32
    %dma_wait3A_57 = arith.constant 0 : i32
    %dma_wait3A_58 = tpu.memref_slice %arg7[%rem3A_56, %dma_wait3A_57] : memref<400x128xf32, #tpu.memory_space<vmem_shared>> -> memref<128x128xf32, #tpu.memory_space<vmem_shared>>
    %dma_wait3A_59 = arith.constant 0 : i32
    %dma_wait3A_60 = tpu.memref_slice %arg7[%rem3A_56, %dma_wait3A_59] : memref<400x128xf32, #tpu.memory_space<vmem_shared>> -> memref<128x128xf32, #tpu.memory_space<vmem_shared>>
    tpu.wait_dma2 semaphore(%arg17 : memref<!tpu.dma_semaphore, #tpu.memory_space<semaphore_mem>>) src(%dma_wait3A_60 : memref<128x128xf32, #tpu.memory_space<vmem_shared>>) dst(%arg10 : memref<128x128xf32, #tpu.memory_space<vmem>>)
    %dma_start3A_61 = arith.constant 256 : i32
    %dma_start3A_62 = tpu.memref_slice %arg6[%dma_start3A_61] : memref<6400xi32, #tpu.memory_space<vmem>> -> memref<128xi32, #tpu.memory_space<vmem>>
    %dma_start3A_63 = arith.constant 0 : i32
    %dma_start3A_64 = arith.constant 0 : i32
    %dma_start3A_65 = tpu.memref_slice %arg3[%dma_start3A_63, %dma_start3A_64] : memref<100000x128xf32, #tpu.memory_space<hbm>> -> memref<100000x128xf32, #tpu.memory_space<hbm>>
    tpu.enqueue_indirect_dma source(%dma_start3A_65 : memref<100000x128xf32, #tpu.memory_space<hbm>>) target(%arg10 : memref<128x128xf32, #tpu.memory_space<vmem>>) offsets(%dma_start3A_62 : memref<128xi32, #tpu.memory_space<vmem>>) semaphore(%arg24 : memref<!tpu.dma_semaphore, #tpu.memory_space<semaphore_mem>>) {add = true}
    %scan3A = arith.constant 0 : i32
    %scan3A_66 = arith.constant 0 : i32
    %scan3A_67 = arith.constant 7 : i32
    %scan3A_68 = arith.addi %scan3A_66, %scan3A_67 : i32
    %scan3A_69 = arith.constant 1 : i32
    scf.for %scan3A_124 = %scan3A_66 to %scan3A_68 step %scan3A_69  : i32 {
      %mul3A_125 = arith.constant 7 : i32
      %mul3A_126 = arith.muli %scan3A_124, %mul3A_125 : i32
      %add3A_127 = arith.constant 0 : i32
      %add3A_128 = arith.addi %mul3A_126, %add3A_127 : i32
      %add3A_129 = arith.constant 4 : i32
      %add3A_130 = arith.addi %add3A_128, %add3A_129 : i32
      %lt3A = arith.constant 50 : i32
      %lt3A_131 = arith.cmpi slt, %add3A_130, %lt3A : i32
      %convert_element_type3A_132 = arith.extui %lt3A_131 : i1 to i32
      %cond3A_133 = arith.constant 0 : i32
      %cond3A_134 = arith.cmpi ne, %convert_element_type3A_132, %cond3A_133 : i32
      scf.if %cond3A_134 {
        %add3A_341 = arith.constant 4 : i32
        %add3A_342 = arith.addi %add3A_128, %add3A_341 : i32
        %sub3A = arith.constant 7 : i32
        %sub3A_343 = arith.subi %add3A_342, %sub3A : i32
        %ge3A = arith.constant 0 : i32
        %ge3A_344 = arith.cmpi sge, %sub3A_343, %ge3A : i32
        %convert_element_type3A_345 = arith.extui %ge3A_344 : i1 to i32
        %cond3A_346 = arith.constant 0 : i32
        %cond3A_347 = arith.cmpi ne, %convert_element_type3A_345, %cond3A_346 : i32
        scf.if %cond3A_347 {
          %add3A_358 = arith.constant 4 : i32
          %add3A_359 = arith.addi %add3A_128, %add3A_358 : i32
          %sub3A_360 = arith.constant 7 : i32
          %sub3A_361 = arith.subi %add3A_359, %sub3A_360 : i32
          %mul3A_362 = arith.constant 128 : i32
          %mul3A_363 = arith.muli %sub3A_361, %mul3A_362 : i32
          %add3A_364 = arith.addi %mul3A_2, %mul3A_363 : i32
          %dma_wait3A_365 = arith.constant 0 : i32
          %dma_wait3A_366 = tpu.memref_slice %arg5[%add3A_364, %dma_wait3A_365] : memref<204800x128xf32, #tpu.memory_space<hbm>> -> memref<128x128xf32, #tpu.memory_space<hbm>>
          %dma_wait3A_367 = arith.constant 0 : i32
          %dma_wait3A_368 = tpu.memref_slice %arg5[%add3A_364, %dma_wait3A_367] : memref<204800x128xf32, #tpu.memory_space<hbm>> -> memref<128x128xf32, #tpu.memory_space<hbm>>
          tpu.wait_dma2 semaphore(%arg33 : memref<!tpu.dma_semaphore, #tpu.memory_space<semaphore_mem>>) src(%arg12 : memref<128x128xf32, #tpu.memory_space<vmem>>) dst(%dma_wait3A_368 : memref<128x128xf32, #tpu.memory_space<hbm>>)
        } else {
        }
        %add3A_348 = arith.constant 4 : i32
        %add3A_349 = arith.addi %add3A_128, %add3A_348 : i32
        %mul3A_350 = arith.constant 128 : i32
        %mul3A_351 = arith.muli %add3A_349, %mul3A_350 : i32
        %rem3A_352 = arith.constant 200 : i32
        %rem3A_353 = arith.remsi %mul3A_351, %rem3A_352 : i32
        %dma_start3A_354 = arith.constant 0 : i32
        %dma_start3A_355 = tpu.memref_slice %arg7[%rem3A_353, %dma_start3A_354] : memref<400x128xf32, #tpu.memory_space<vmem_shared>> -> memref<128x128xf32, #tpu.memory_space<vmem_shared>>
        %dma_start3A_356 = arith.constant 0 : i32
        %dma_start3A_357 = tpu.memref_slice %arg7[%rem3A_353, %dma_start3A_356] : memref<400x128xf32, #tpu.memory_space<vmem_shared>> -> memref<128x128xf32, #tpu.memory_space<vmem_shared>>
        tpu.enqueue_dma source(%dma_start3A_357 : memref<128x128xf32, #tpu.memory_space<vmem_shared>>) target(%arg12 : memref<128x128xf32, #tpu.memory_space<vmem>>) target_semaphore(%arg19 : memref<!tpu.dma_semaphore, #tpu.memory_space<semaphore_mem>>)
      } else {
      }
      %add3A_135 = arith.constant 3 : i32
      %add3A_136 = arith.addi %add3A_128, %add3A_135 : i32
      %lt3A_137 = arith.constant 50 : i32
      %lt3A_138 = arith.cmpi slt, %add3A_136, %lt3A_137 : i32
      %convert_element_type3A_139 = arith.extui %lt3A_138 : i1 to i32
      %cond3A_140 = arith.constant 0 : i32
      %cond3A_141 = arith.cmpi ne, %convert_element_type3A_139, %cond3A_140 : i32
      scf.if %cond3A_141 {
        %add3A_341 = arith.constant 3 : i32
        %add3A_342 = arith.addi %add3A_128, %add3A_341 : i32
        %mul3A_343 = arith.constant 128 : i32
        %mul3A_344 = arith.muli %add3A_342, %mul3A_343 : i32
        %rem3A_345 = arith.constant 200 : i32
        %rem3A_346 = arith.remsi %mul3A_344, %rem3A_345 : i32
        %dma_wait3A_347 = arith.constant 0 : i32
        %dma_wait3A_348 = tpu.memref_slice %arg7[%rem3A_346, %dma_wait3A_347] : memref<400x128xf32, #tpu.memory_space<vmem_shared>> -> memref<128x128xf32, #tpu.memory_space<vmem_shared>>
        %dma_wait3A_349 = arith.constant 0 : i32
        %dma_wait3A_350 = tpu.memref_slice %arg7[%rem3A_346, %dma_wait3A_349] : memref<400x128xf32, #tpu.memory_space<vmem_shared>> -> memref<128x128xf32, #tpu.memory_space<vmem_shared>>
        tpu.wait_dma2 semaphore(%arg18 : memref<!tpu.dma_semaphore, #tpu.memory_space<semaphore_mem>>) src(%dma_wait3A_350 : memref<128x128xf32, #tpu.memory_space<vmem_shared>>) dst(%arg11 : memref<128x128xf32, #tpu.memory_space<vmem>>)
        %add3A_351 = arith.constant 3 : i32
        %add3A_352 = arith.addi %add3A_128, %add3A_351 : i32
        %mul3A_353 = arith.constant 128 : i32
        %mul3A_354 = arith.muli %add3A_352, %mul3A_353 : i32
        %dma_start3A_355 = tpu.memref_slice %arg6[%mul3A_354] : memref<6400xi32, #tpu.memory_space<vmem>> -> memref<128xi32, #tpu.memory_space<vmem>>
        %dma_start3A_356 = arith.constant 0 : i32
        %dma_start3A_357 = arith.constant 0 : i32
        %dma_start3A_358 = tpu.memref_slice %arg3[%dma_start3A_356, %dma_start3A_357] : memref<100000x128xf32, #tpu.memory_space<hbm>> -> memref<100000x128xf32, #tpu.memory_space<hbm>>
        tpu.enqueue_indirect_dma source(%dma_start3A_358 : memref<100000x128xf32, #tpu.memory_space<hbm>>) target(%arg11 : memref<128x128xf32, #tpu.memory_space<vmem>>) offsets(%dma_start3A_355 : memref<128xi32, #tpu.memory_space<vmem>>) semaphore(%arg25 : memref<!tpu.dma_semaphore, #tpu.memory_space<semaphore_mem>>) {add = true}
      } else {
      }
      %mul3A_142 = arith.constant 128 : i32
      %mul3A_143 = arith.muli %add3A_128, %mul3A_142 : i32
      %dma_wait3A_144 = tpu.memref_slice %arg6[%mul3A_143] : memref<6400xi32, #tpu.memory_space<vmem>> -> memref<128xi32, #tpu.memory_space<vmem>>
      %dma_wait3A_145 = arith.constant 0 : i32
      %dma_wait3A_146 = arith.constant 0 : i32
      %dma_wait3A_147 = tpu.memref_slice %arg3[%dma_wait3A_145, %dma_wait3A_146] : memref<100000x128xf32, #tpu.memory_space<hbm>> -> memref<100000x128xf32, #tpu.memory_space<hbm>>
      tpu.wait_indirect_dma semaphore(%arg22 : memref<!tpu.dma_semaphore, #tpu.memory_space<semaphore_mem>>) src(%dma_wait3A_147 : memref<100000x128xf32, #tpu.memory_space<hbm>>) dst(%arg8 : memref<128x128xf32, #tpu.memory_space<vmem>>)
      %mul3A_148 = arith.constant 128 : i32
      %mul3A_149 = arith.muli %add3A_128, %mul3A_148 : i32
      %add3A_150 = arith.addi %mul3A_2, %mul3A_149 : i32
      %dma_start3A_151 = arith.constant 0 : i32
      %dma_start3A_152 = tpu.memref_slice %arg5[%add3A_150, %dma_start3A_151] : memref<204800x128xf32, #tpu.memory_space<hbm>> -> memref<128x128xf32, #tpu.memory_space<hbm>>
      %dma_start3A_153 = arith.constant 0 : i32
      %dma_start3A_154 = tpu.memref_slice %arg5[%add3A_150, %dma_start3A_153] : memref<204800x128xf32, #tpu.memory_space<hbm>> -> memref<128x128xf32, #tpu.memory_space<hbm>>
      tpu.enqueue_dma source(%arg8 : memref<128x128xf32, #tpu.memory_space<vmem>>) target(%dma_start3A_154 : memref<128x128xf32, #tpu.memory_space<hbm>>) target_semaphore(%arg29 : memref<!tpu.dma_semaphore, #tpu.memory_space<semaphore_mem>>)
      %mul3A_155 = arith.constant 7 : i32
      %mul3A_156 = arith.muli %scan3A_124, %mul3A_155 : i32
      %add3A_157 = arith.constant 1 : i32
      %add3A_158 = arith.addi %mul3A_156, %add3A_157 : i32
      %add3A_159 = arith.constant 4 : i32
      %add3A_160 = arith.addi %add3A_158, %add3A_159 : i32
      %lt3A_161 = arith.constant 50 : i32
      %lt3A_162 = arith.cmpi slt, %add3A_160, %lt3A_161 : i32
      %convert_element_type3A_163 = arith.extui %lt3A_162 : i1 to i32
      %cond3A_164 = arith.constant 0 : i32
      %cond3A_165 = arith.cmpi ne, %convert_element_type3A_163, %cond3A_164 : i32
      scf.if %cond3A_165 {
        %add3A_341 = arith.constant 4 : i32
        %add3A_342 = arith.addi %add3A_158, %add3A_341 : i32
        %sub3A = arith.constant 7 : i32
        %sub3A_343 = arith.subi %add3A_342, %sub3A : i32
        %ge3A = arith.constant 0 : i32
        %ge3A_344 = arith.cmpi sge, %sub3A_343, %ge3A : i32
        %convert_element_type3A_345 = arith.extui %ge3A_344 : i1 to i32
        %cond3A_346 = arith.constant 0 : i32
        %cond3A_347 = arith.cmpi ne, %convert_element_type3A_345, %cond3A_346 : i32
        scf.if %cond3A_347 {
          %add3A_358 = arith.constant 4 : i32
          %add3A_359 = arith.addi %add3A_158, %add3A_358 : i32
          %sub3A_360 = arith.constant 7 : i32
          %sub3A_361 = arith.subi %add3A_359, %sub3A_360 : i32
          %mul3A_362 = arith.constant 128 : i32
          %mul3A_363 = arith.muli %sub3A_361, %mul3A_362 : i32
          %add3A_364 = arith.addi %mul3A_2, %mul3A_363 : i32
          %dma_wait3A_365 = arith.constant 0 : i32
          %dma_wait3A_366 = tpu.memref_slice %arg5[%add3A_364, %dma_wait3A_365] : memref<204800x128xf32, #tpu.memory_space<hbm>> -> memref<128x128xf32, #tpu.memory_space<hbm>>
          %dma_wait3A_367 = arith.constant 0 : i32
          %dma_wait3A_368 = tpu.memref_slice %arg5[%add3A_364, %dma_wait3A_367] : memref<204800x128xf32, #tpu.memory_space<hbm>> -> memref<128x128xf32, #tpu.memory_space<hbm>>
          tpu.wait_dma2 semaphore(%arg34 : memref<!tpu.dma_semaphore, #tpu.memory_space<semaphore_mem>>) src(%arg13 : memref<128x128xf32, #tpu.memory_space<vmem>>) dst(%dma_wait3A_368 : memref<128x128xf32, #tpu.memory_space<hbm>>)
        } else {
        }
        %add3A_348 = arith.constant 4 : i32
        %add3A_349 = arith.addi %add3A_158, %add3A_348 : i32
        %mul3A_350 = arith.constant 128 : i32
        %mul3A_351 = arith.muli %add3A_349, %mul3A_350 : i32
        %rem3A_352 = arith.constant 200 : i32
        %rem3A_353 = arith.remsi %mul3A_351, %rem3A_352 : i32
        %dma_start3A_354 = arith.constant 0 : i32
        %dma_start3A_355 = tpu.memref_slice %arg7[%rem3A_353, %dma_start3A_354] : memref<400x128xf32, #tpu.memory_space<vmem_shared>> -> memref<128x128xf32, #tpu.memory_space<vmem_shared>>
        %dma_start3A_356 = arith.constant 0 : i32
        %dma_start3A_357 = tpu.memref_slice %arg7[%rem3A_353, %dma_start3A_356] : memref<400x128xf32, #tpu.memory_space<vmem_shared>> -> memref<128x128xf32, #tpu.memory_space<vmem_shared>>
        tpu.enqueue_dma source(%dma_start3A_357 : memref<128x128xf32, #tpu.memory_space<vmem_shared>>) target(%arg13 : memref<128x128xf32, #tpu.memory_space<vmem>>) target_semaphore(%arg20 : memref<!tpu.dma_semaphore, #tpu.memory_space<semaphore_mem>>)
      } else {
      }
      %add3A_166 = arith.constant 3 : i32
      %add3A_167 = arith.addi %add3A_158, %add3A_166 : i32
      %lt3A_168 = arith.constant 50 : i32
      %lt3A_169 = arith.cmpi slt, %add3A_167, %lt3A_168 : i32
      %convert_element_type3A_170 = arith.extui %lt3A_169 : i1 to i32
      %cond3A_171 = arith.constant 0 : i32
      %cond3A_172 = arith.cmpi ne, %convert_element_type3A_170, %cond3A_171 : i32
      scf.if %cond3A_172 {
        %add3A_341 = arith.constant 3 : i32
        %add3A_342 = arith.addi %add3A_158, %add3A_341 : i32
        %mul3A_343 = arith.constant 128 : i32
        %mul3A_344 = arith.muli %add3A_342, %mul3A_343 : i32
        %rem3A_345 = arith.constant 200 : i32
        %rem3A_346 = arith.remsi %mul3A_344, %rem3A_345 : i32
        %dma_wait3A_347 = arith.constant 0 : i32
        %dma_wait3A_348 = tpu.memref_slice %arg7[%rem3A_346, %dma_wait3A_347] : memref<400x128xf32, #tpu.memory_space<vmem_shared>> -> memref<128x128xf32, #tpu.memory_space<vmem_shared>>
        %dma_wait3A_349 = arith.constant 0 : i32
        %dma_wait3A_350 = tpu.memref_slice %arg7[%rem3A_346, %dma_wait3A_349] : memref<400x128xf32, #tpu.memory_space<vmem_shared>> -> memref<128x128xf32, #tpu.memory_space<vmem_shared>>
        tpu.wait_dma2 semaphore(%arg19 : memref<!tpu.dma_semaphore, #tpu.memory_space<semaphore_mem>>) src(%dma_wait3A_350 : memref<128x128xf32, #tpu.memory_space<vmem_shared>>) dst(%arg12 : memref<128x128xf32, #tpu.memory_space<vmem>>)
        %add3A_351 = arith.constant 3 : i32
        %add3A_352 = arith.addi %add3A_158, %add3A_351 : i32
        %mul3A_353 = arith.constant 128 : i32
        %mul3A_354 = arith.muli %add3A_352, %mul3A_353 : i32
        %dma_start3A_355 = tpu.memref_slice %arg6[%mul3A_354] : memref<6400xi32, #tpu.memory_space<vmem>> -> memref<128xi32, #tpu.memory_space<vmem>>
        %dma_start3A_356 = arith.constant 0 : i32
        %dma_start3A_357 = arith.constant 0 : i32
        %dma_start3A_358 = tpu.memref_slice %arg3[%dma_start3A_356, %dma_start3A_357] : memref<100000x128xf32, #tpu.memory_space<hbm>> -> memref<100000x128xf32, #tpu.memory_space<hbm>>
        tpu.enqueue_indirect_dma source(%dma_start3A_358 : memref<100000x128xf32, #tpu.memory_space<hbm>>) target(%arg12 : memref<128x128xf32, #tpu.memory_space<vmem>>) offsets(%dma_start3A_355 : memref<128xi32, #tpu.memory_space<vmem>>) semaphore(%arg26 : memref<!tpu.dma_semaphore, #tpu.memory_space<semaphore_mem>>) {add = true}
      } else {
      }
      %mul3A_173 = arith.constant 128 : i32
      %mul3A_174 = arith.muli %add3A_158, %mul3A_173 : i32
      %dma_wait3A_175 = tpu.memref_slice %arg6[%mul3A_174] : memref<6400xi32, #tpu.memory_space<vmem>> -> memref<128xi32, #tpu.memory_space<vmem>>
      %dma_wait3A_176 = arith.constant 0 : i32
      %dma_wait3A_177 = arith.constant 0 : i32
      %dma_wait3A_178 = tpu.memref_slice %arg3[%dma_wait3A_176, %dma_wait3A_177] : memref<100000x128xf32, #tpu.memory_space<hbm>> -> memref<100000x128xf32, #tpu.memory_space<hbm>>
      tpu.wait_indirect_dma semaphore(%arg23 : memref<!tpu.dma_semaphore, #tpu.memory_space<semaphore_mem>>) src(%dma_wait3A_178 : memref<100000x128xf32, #tpu.memory_space<hbm>>) dst(%arg9 : memref<128x128xf32, #tpu.memory_space<vmem>>)
      %mul3A_179 = arith.constant 128 : i32
      %mul3A_180 = arith.muli %add3A_158, %mul3A_179 : i32
      %add3A_181 = arith.addi %mul3A_2, %mul3A_180 : i32
      %dma_start3A_182 = arith.constant 0 : i32
      %dma_start3A_183 = tpu.memref_slice %arg5[%add3A_181, %dma_start3A_182] : memref<204800x128xf32, #tpu.memory_space<hbm>> -> memref<128x128xf32, #tpu.memory_space<hbm>>
      %dma_start3A_184 = arith.constant 0 : i32
      %dma_start3A_185 = tpu.memref_slice %arg5[%add3A_181, %dma_start3A_184] : memref<204800x128xf32, #tpu.memory_space<hbm>> -> memref<128x128xf32, #tpu.memory_space<hbm>>
      tpu.enqueue_dma source(%arg9 : memref<128x128xf32, #tpu.memory_space<vmem>>) target(%dma_start3A_185 : memref<128x128xf32, #tpu.memory_space<hbm>>) target_semaphore(%arg30 : memref<!tpu.dma_semaphore, #tpu.memory_space<semaphore_mem>>)
      %mul3A_186 = arith.constant 7 : i32
      %mul3A_187 = arith.muli %scan3A_124, %mul3A_186 : i32
      %add3A_188 = arith.constant 2 : i32
      %add3A_189 = arith.addi %mul3A_187, %add3A_188 : i32
      %add3A_190 = arith.constant 4 : i32
      %add3A_191 = arith.addi %add3A_189, %add3A_190 : i32
      %lt3A_192 = arith.constant 50 : i32
      %lt3A_193 = arith.cmpi slt, %add3A_191, %lt3A_192 : i32
      %convert_element_type3A_194 = arith.extui %lt3A_193 : i1 to i32
      %cond3A_195 = arith.constant 0 : i32
      %cond3A_196 = arith.cmpi ne, %convert_element_type3A_194, %cond3A_195 : i32
      scf.if %cond3A_196 {
        %add3A_341 = arith.constant 4 : i32
        %add3A_342 = arith.addi %add3A_189, %add3A_341 : i32
        %sub3A = arith.constant 7 : i32
        %sub3A_343 = arith.subi %add3A_342, %sub3A : i32
        %ge3A = arith.constant 0 : i32
        %ge3A_344 = arith.cmpi sge, %sub3A_343, %ge3A : i32
        %convert_element_type3A_345 = arith.extui %ge3A_344 : i1 to i32
        %cond3A_346 = arith.constant 0 : i32
        %cond3A_347 = arith.cmpi ne, %convert_element_type3A_345, %cond3A_346 : i32
        scf.if %cond3A_347 {
          %add3A_358 = arith.constant 4 : i32
          %add3A_359 = arith.addi %add3A_189, %add3A_358 : i32
          %sub3A_360 = arith.constant 7 : i32
          %sub3A_361 = arith.subi %add3A_359, %sub3A_360 : i32
          %mul3A_362 = arith.constant 128 : i32
          %mul3A_363 = arith.muli %sub3A_361, %mul3A_362 : i32
          %add3A_364 = arith.addi %mul3A_2, %mul3A_363 : i32
          %dma_wait3A_365 = arith.constant 0 : i32
          %dma_wait3A_366 = tpu.memref_slice %arg5[%add3A_364, %dma_wait3A_365] : memref<204800x128xf32, #tpu.memory_space<hbm>> -> memref<128x128xf32, #tpu.memory_space<hbm>>
          %dma_wait3A_367 = arith.constant 0 : i32
          %dma_wait3A_368 = tpu.memref_slice %arg5[%add3A_364, %dma_wait3A_367] : memref<204800x128xf32, #tpu.memory_space<hbm>> -> memref<128x128xf32, #tpu.memory_space<hbm>>
          tpu.wait_dma2 semaphore(%arg35 : memref<!tpu.dma_semaphore, #tpu.memory_space<semaphore_mem>>) src(%arg14 : memref<128x128xf32, #tpu.memory_space<vmem>>) dst(%dma_wait3A_368 : memref<128x128xf32, #tpu.memory_space<hbm>>)
        } else {
        }
        %add3A_348 = arith.constant 4 : i32
        %add3A_349 = arith.addi %add3A_189, %add3A_348 : i32
        %mul3A_350 = arith.constant 128 : i32
        %mul3A_351 = arith.muli %add3A_349, %mul3A_350 : i32
        %rem3A_352 = arith.constant 200 : i32
        %rem3A_353 = arith.remsi %mul3A_351, %rem3A_352 : i32
        %dma_start3A_354 = arith.constant 0 : i32
        %dma_start3A_355 = tpu.memref_slice %arg7[%rem3A_353, %dma_start3A_354] : memref<400x128xf32, #tpu.memory_space<vmem_shared>> -> memref<128x128xf32, #tpu.memory_space<vmem_shared>>
        %dma_start3A_356 = arith.constant 0 : i32
        %dma_start3A_357 = tpu.memref_slice %arg7[%rem3A_353, %dma_start3A_356] : memref<400x128xf32, #tpu.memory_space<vmem_shared>> -> memref<128x128xf32, #tpu.memory_space<vmem_shared>>
        tpu.enqueue_dma source(%dma_start3A_357 : memref<128x128xf32, #tpu.memory_space<vmem_shared>>) target(%arg14 : memref<128x128xf32, #tpu.memory_space<vmem>>) target_semaphore(%arg21 : memref<!tpu.dma_semaphore, #tpu.memory_space<semaphore_mem>>)
      } else {
      }
      %add3A_197 = arith.constant 3 : i32
      %add3A_198 = arith.addi %add3A_189, %add3A_197 : i32
      %lt3A_199 = arith.constant 50 : i32
      %lt3A_200 = arith.cmpi slt, %add3A_198, %lt3A_199 : i32
      %convert_element_type3A_201 = arith.extui %lt3A_200 : i1 to i32
      %cond3A_202 = arith.constant 0 : i32
      %cond3A_203 = arith.cmpi ne, %convert_element_type3A_201, %cond3A_202 : i32
      scf.if %cond3A_203 {
        %add3A_341 = arith.constant 3 : i32
        %add3A_342 = arith.addi %add3A_189, %add3A_341 : i32
        %mul3A_343 = arith.constant 128 : i32
        %mul3A_344 = arith.muli %add3A_342, %mul3A_343 : i32
        %rem3A_345 = arith.constant 200 : i32
        %rem3A_346 = arith.remsi %mul3A_344, %rem3A_345 : i32
        %dma_wait3A_347 = arith.constant 0 : i32
        %dma_wait3A_348 = tpu.memref_slice %arg7[%rem3A_346, %dma_wait3A_347] : memref<400x128xf32, #tpu.memory_space<vmem_shared>> -> memref<128x128xf32, #tpu.memory_space<vmem_shared>>
        %dma_wait3A_349 = arith.constant 0 : i32
        %dma_wait3A_350 = tpu.memref_slice %arg7[%rem3A_346, %dma_wait3A_349] : memref<400x128xf32, #tpu.memory_space<vmem_shared>> -> memref<128x128xf32, #tpu.memory_space<vmem_shared>>
        tpu.wait_dma2 semaphore(%arg20 : memref<!tpu.dma_semaphore, #tpu.memory_space<semaphore_mem>>) src(%dma_wait3A_350 : memref<128x128xf32, #tpu.memory_space<vmem_shared>>) dst(%arg13 : memref<128x128xf32, #tpu.memory_space<vmem>>)
        %add3A_351 = arith.constant 3 : i32
        %add3A_352 = arith.addi %add3A_189, %add3A_351 : i32
        %mul3A_353 = arith.constant 128 : i32
        %mul3A_354 = arith.muli %add3A_352, %mul3A_353 : i32
        %dma_start3A_355 = tpu.memref_slice %arg6[%mul3A_354] : memref<6400xi32, #tpu.memory_space<vmem>> -> memref<128xi32, #tpu.memory_space<vmem>>
        %dma_start3A_356 = arith.constant 0 : i32
        %dma_start3A_357 = arith.constant 0 : i32
        %dma_start3A_358 = tpu.memref_slice %arg3[%dma_start3A_356, %dma_start3A_357] : memref<100000x128xf32, #tpu.memory_space<hbm>> -> memref<100000x128xf32, #tpu.memory_space<hbm>>
        tpu.enqueue_indirect_dma source(%dma_start3A_358 : memref<100000x128xf32, #tpu.memory_space<hbm>>) target(%arg13 : memref<128x128xf32, #tpu.memory_space<vmem>>) offsets(%dma_start3A_355 : memref<128xi32, #tpu.memory_space<vmem>>) semaphore(%arg27 : memref<!tpu.dma_semaphore, #tpu.memory_space<semaphore_mem>>) {add = true}
      } else {
      }
      %mul3A_204 = arith.constant 128 : i32
      %mul3A_205 = arith.muli %add3A_189, %mul3A_204 : i32
      %dma_wait3A_206 = tpu.memref_slice %arg6[%mul3A_205] : memref<6400xi32, #tpu.memory_space<vmem>> -> memref<128xi32, #tpu.memory_space<vmem>>
      %dma_wait3A_207 = arith.constant 0 : i32
      %dma_wait3A_208 = arith.constant 0 : i32
      %dma_wait3A_209 = tpu.memref_slice %arg3[%dma_wait3A_207, %dma_wait3A_208] : memref<100000x128xf32, #tpu.memory_space<hbm>> -> memref<100000x128xf32, #tpu.memory_space<hbm>>
      tpu.wait_indirect_dma semaphore(%arg24 : memref<!tpu.dma_semaphore, #tpu.memory_space<semaphore_mem>>) src(%dma_wait3A_209 : memref<100000x128xf32, #tpu.memory_space<hbm>>) dst(%arg10 : memref<128x128xf32, #tpu.memory_space<vmem>>)
      %mul3A_210 = arith.constant 128 : i32
      %mul3A_211 = arith.muli %add3A_189, %mul3A_210 : i32
      %add3A_212 = arith.addi %mul3A_2, %mul3A_211 : i32
      %dma_start3A_213 = arith.constant 0 : i32
      %dma_start3A_214 = tpu.memref_slice %arg5[%add3A_212, %dma_start3A_213] : memref<204800x128xf32, #tpu.memory_space<hbm>> -> memref<128x128xf32, #tpu.memory_space<hbm>>
      %dma_start3A_215 = arith.constant 0 : i32
      %dma_start3A_216 = tpu.memref_slice %arg5[%add3A_212, %dma_start3A_215] : memref<204800x128xf32, #tpu.memory_space<hbm>> -> memref<128x128xf32, #tpu.memory_space<hbm>>
      tpu.enqueue_dma source(%arg10 : memref<128x128xf32, #tpu.memory_space<vmem>>) target(%dma_start3A_216 : memref<128x128xf32, #tpu.memory_space<hbm>>) target_semaphore(%arg31 : memref<!tpu.dma_semaphore, #tpu.memory_space<semaphore_mem>>)
      %mul3A_217 = arith.constant 7 : i32
      %mul3A_218 = arith.muli %scan3A_124, %mul3A_217 : i32
      %add3A_219 = arith.constant 3 : i32
      %add3A_220 = arith.addi %mul3A_218, %add3A_219 : i32
      %add3A_221 = arith.constant 4 : i32
      %add3A_222 = arith.addi %add3A_220, %add3A_221 : i32
      %lt3A_223 = arith.constant 50 : i32
      %lt3A_224 = arith.cmpi slt, %add3A_222, %lt3A_223 : i32
      %convert_element_type3A_225 = arith.extui %lt3A_224 : i1 to i32
      %cond3A_226 = arith.constant 0 : i32
      %cond3A_227 = arith.cmpi ne, %convert_element_type3A_225, %cond3A_226 : i32
      scf.if %cond3A_227 {
        %add3A_341 = arith.constant 4 : i32
        %add3A_342 = arith.addi %add3A_220, %add3A_341 : i32
        %sub3A = arith.constant 7 : i32
        %sub3A_343 = arith.subi %add3A_342, %sub3A : i32
        %ge3A = arith.constant 0 : i32
        %ge3A_344 = arith.cmpi sge, %sub3A_343, %ge3A : i32
        %convert_element_type3A_345 = arith.extui %ge3A_344 : i1 to i32
        %cond3A_346 = arith.constant 0 : i32
        %cond3A_347 = arith.cmpi ne, %convert_element_type3A_345, %cond3A_346 : i32
        scf.if %cond3A_347 {
          %add3A_358 = arith.constant 4 : i32
          %add3A_359 = arith.addi %add3A_220, %add3A_358 : i32
          %sub3A_360 = arith.constant 7 : i32
          %sub3A_361 = arith.subi %add3A_359, %sub3A_360 : i32
          %mul3A_362 = arith.constant 128 : i32
          %mul3A_363 = arith.muli %sub3A_361, %mul3A_362 : i32
          %add3A_364 = arith.addi %mul3A_2, %mul3A_363 : i32
          %dma_wait3A_365 = arith.constant 0 : i32
          %dma_wait3A_366 = tpu.memref_slice %arg5[%add3A_364, %dma_wait3A_365] : memref<204800x128xf32, #tpu.memory_space<hbm>> -> memref<128x128xf32, #tpu.memory_space<hbm>>
          %dma_wait3A_367 = arith.constant 0 : i32
          %dma_wait3A_368 = tpu.memref_slice %arg5[%add3A_364, %dma_wait3A_367] : memref<204800x128xf32, #tpu.memory_space<hbm>> -> memref<128x128xf32, #tpu.memory_space<hbm>>
          tpu.wait_dma2 semaphore(%arg29 : memref<!tpu.dma_semaphore, #tpu.memory_space<semaphore_mem>>) src(%arg8 : memref<128x128xf32, #tpu.memory_space<vmem>>) dst(%dma_wait3A_368 : memref<128x128xf32, #tpu.memory_space<hbm>>)
        } else {
        }
        %add3A_348 = arith.constant 4 : i32
        %add3A_349 = arith.addi %add3A_220, %add3A_348 : i32
        %mul3A_350 = arith.constant 128 : i32
        %mul3A_351 = arith.muli %add3A_349, %mul3A_350 : i32
        %rem3A_352 = arith.constant 200 : i32
        %rem3A_353 = arith.remsi %mul3A_351, %rem3A_352 : i32
        %dma_start3A_354 = arith.constant 0 : i32
        %dma_start3A_355 = tpu.memref_slice %arg7[%rem3A_353, %dma_start3A_354] : memref<400x128xf32, #tpu.memory_space<vmem_shared>> -> memref<128x128xf32, #tpu.memory_space<vmem_shared>>
        %dma_start3A_356 = arith.constant 0 : i32
        %dma_start3A_357 = tpu.memref_slice %arg7[%rem3A_353, %dma_start3A_356] : memref<400x128xf32, #tpu.memory_space<vmem_shared>> -> memref<128x128xf32, #tpu.memory_space<vmem_shared>>
        tpu.enqueue_dma source(%dma_start3A_357 : memref<128x128xf32, #tpu.memory_space<vmem_shared>>) target(%arg8 : memref<128x128xf32, #tpu.memory_space<vmem>>) target_semaphore(%arg15 : memref<!tpu.dma_semaphore, #tpu.memory_space<semaphore_mem>>)
      } else {
      }
      %add3A_228 = arith.constant 3 : i32
      %add3A_229 = arith.addi %add3A_220, %add3A_228 : i32
      %lt3A_230 = arith.constant 50 : i32
      %lt3A_231 = arith.cmpi slt, %add3A_229, %lt3A_230 : i32
      %convert_element_type3A_232 = arith.extui %lt3A_231 : i1 to i32
      %cond3A_233 = arith.constant 0 : i32
      %cond3A_234 = arith.cmpi ne, %convert_element_type3A_232, %cond3A_233 : i32
      scf.if %cond3A_234 {
        %add3A_341 = arith.constant 3 : i32
        %add3A_342 = arith.addi %add3A_220, %add3A_341 : i32
        %mul3A_343 = arith.constant 128 : i32
        %mul3A_344 = arith.muli %add3A_342, %mul3A_343 : i32
        %rem3A_345 = arith.constant 200 : i32
        %rem3A_346 = arith.remsi %mul3A_344, %rem3A_345 : i32
        %dma_wait3A_347 = arith.constant 0 : i32
        %dma_wait3A_348 = tpu.memref_slice %arg7[%rem3A_346, %dma_wait3A_347] : memref<400x128xf32, #tpu.memory_space<vmem_shared>> -> memref<128x128xf32, #tpu.memory_space<vmem_shared>>
        %dma_wait3A_349 = arith.constant 0 : i32
        %dma_wait3A_350 = tpu.memref_slice %arg7[%rem3A_346, %dma_wait3A_349] : memref<400x128xf32, #tpu.memory_space<vmem_shared>> -> memref<128x128xf32, #tpu.memory_space<vmem_shared>>
        tpu.wait_dma2 semaphore(%arg21 : memref<!tpu.dma_semaphore, #tpu.memory_space<semaphore_mem>>) src(%dma_wait3A_350 : memref<128x128xf32, #tpu.memory_space<vmem_shared>>) dst(%arg14 : memref<128x128xf32, #tpu.memory_space<vmem>>)
        %add3A_351 = arith.constant 3 : i32
        %add3A_352 = arith.addi %add3A_220, %add3A_351 : i32
        %mul3A_353 = arith.constant 128 : i32
        %mul3A_354 = arith.muli %add3A_352, %mul3A_353 : i32
        %dma_start3A_355 = tpu.memref_slice %arg6[%mul3A_354] : memref<6400xi32, #tpu.memory_space<vmem>> -> memref<128xi32, #tpu.memory_space<vmem>>
        %dma_start3A_356 = arith.constant 0 : i32
        %dma_start3A_357 = arith.constant 0 : i32
        %dma_start3A_358 = tpu.memref_slice %arg3[%dma_start3A_356, %dma_start3A_357] : memref<100000x128xf32, #tpu.memory_space<hbm>> -> memref<100000x128xf32, #tpu.memory_space<hbm>>
        tpu.enqueue_indirect_dma source(%dma_start3A_358 : memref<100000x128xf32, #tpu.memory_space<hbm>>) target(%arg14 : memref<128x128xf32, #tpu.memory_space<vmem>>) offsets(%dma_start3A_355 : memref<128xi32, #tpu.memory_space<vmem>>) semaphore(%arg28 : memref<!tpu.dma_semaphore, #tpu.memory_space<semaphore_mem>>) {add = true}
      } else {
      }
      %mul3A_235 = arith.constant 128 : i32
      %mul3A_236 = arith.muli %add3A_220, %mul3A_235 : i32
      %dma_wait3A_237 = tpu.memref_slice %arg6[%mul3A_236] : memref<6400xi32, #tpu.memory_space<vmem>> -> memref<128xi32, #tpu.memory_space<vmem>>
      %dma_wait3A_238 = arith.constant 0 : i32
      %dma_wait3A_239 = arith.constant 0 : i32
      %dma_wait3A_240 = tpu.memref_slice %arg3[%dma_wait3A_238, %dma_wait3A_239] : memref<100000x128xf32, #tpu.memory_space<hbm>> -> memref<100000x128xf32, #tpu.memory_space<hbm>>
      tpu.wait_indirect_dma semaphore(%arg25 : memref<!tpu.dma_semaphore, #tpu.memory_space<semaphore_mem>>) src(%dma_wait3A_240 : memref<100000x128xf32, #tpu.memory_space<hbm>>) dst(%arg11 : memref<128x128xf32, #tpu.memory_space<vmem>>)
      %mul3A_241 = arith.constant 128 : i32
      %mul3A_242 = arith.muli %add3A_220, %mul3A_241 : i32
      %add3A_243 = arith.addi %mul3A_2, %mul3A_242 : i32
      %dma_start3A_244 = arith.constant 0 : i32
      %dma_start3A_245 = tpu.memref_slice %arg5[%add3A_243, %dma_start3A_244] : memref<204800x128xf32, #tpu.memory_space<hbm>> -> memref<128x128xf32, #tpu.memory_space<hbm>>
      %dma_start3A_246 = arith.constant 0 : i32
      %dma_start3A_247 = tpu.memref_slice %arg5[%add3A_243, %dma_start3A_246] : memref<204800x128xf32, #tpu.memory_space<hbm>> -> memref<128x128xf32, #tpu.memory_space<hbm>>
      tpu.enqueue_dma source(%arg11 : memref<128x128xf32, #tpu.memory_space<vmem>>) target(%dma_start3A_247 : memref<128x128xf32, #tpu.memory_space<hbm>>) target_semaphore(%arg32 : memref<!tpu.dma_semaphore, #tpu.memory_space<semaphore_mem>>)
      %mul3A_248 = arith.constant 7 : i32
      %mul3A_249 = arith.muli %scan3A_124, %mul3A_248 : i32
      %add3A_250 = arith.constant 4 : i32
      %add3A_251 = arith.addi %mul3A_249, %add3A_250 : i32
      %add3A_252 = arith.constant 4 : i32
      %add3A_253 = arith.addi %add3A_251, %add3A_252 : i32
      %lt3A_254 = arith.constant 50 : i32
      %lt3A_255 = arith.cmpi slt, %add3A_253, %lt3A_254 : i32
      %convert_element_type3A_256 = arith.extui %lt3A_255 : i1 to i32
      %cond3A_257 = arith.constant 0 : i32
      %cond3A_258 = arith.cmpi ne, %convert_element_type3A_256, %cond3A_257 : i32
      scf.if %cond3A_258 {
        %add3A_341 = arith.constant 4 : i32
        %add3A_342 = arith.addi %add3A_251, %add3A_341 : i32
        %sub3A = arith.constant 7 : i32
        %sub3A_343 = arith.subi %add3A_342, %sub3A : i32
        %ge3A = arith.constant 0 : i32
        %ge3A_344 = arith.cmpi sge, %sub3A_343, %ge3A : i32
        %convert_element_type3A_345 = arith.extui %ge3A_344 : i1 to i32
        %cond3A_346 = arith.constant 0 : i32
        %cond3A_347 = arith.cmpi ne, %convert_element_type3A_345, %cond3A_346 : i32
        scf.if %cond3A_347 {
          %add3A_358 = arith.constant 4 : i32
          %add3A_359 = arith.addi %add3A_251, %add3A_358 : i32
          %sub3A_360 = arith.constant 7 : i32
          %sub3A_361 = arith.subi %add3A_359, %sub3A_360 : i32
          %mul3A_362 = arith.constant 128 : i32
          %mul3A_363 = arith.muli %sub3A_361, %mul3A_362 : i32
          %add3A_364 = arith.addi %mul3A_2, %mul3A_363 : i32
          %dma_wait3A_365 = arith.constant 0 : i32
          %dma_wait3A_366 = tpu.memref_slice %arg5[%add3A_364, %dma_wait3A_365] : memref<204800x128xf32, #tpu.memory_space<hbm>> -> memref<128x128xf32, #tpu.memory_space<hbm>>
          %dma_wait3A_367 = arith.constant 0 : i32
          %dma_wait3A_368 = tpu.memref_slice %arg5[%add3A_364, %dma_wait3A_367] : memref<204800x128xf32, #tpu.memory_space<hbm>> -> memref<128x128xf32, #tpu.memory_space<hbm>>
          tpu.wait_dma2 semaphore(%arg30 : memref<!tpu.dma_semaphore, #tpu.memory_space<semaphore_mem>>) src(%arg9 : memref<128x128xf32, #tpu.memory_space<vmem>>) dst(%dma_wait3A_368 : memref<128x128xf32, #tpu.memory_space<hbm>>)
        } else {
        }
        %add3A_348 = arith.constant 4 : i32
        %add3A_349 = arith.addi %add3A_251, %add3A_348 : i32
        %mul3A_350 = arith.constant 128 : i32
        %mul3A_351 = arith.muli %add3A_349, %mul3A_350 : i32
        %rem3A_352 = arith.constant 200 : i32
        %rem3A_353 = arith.remsi %mul3A_351, %rem3A_352 : i32
        %dma_start3A_354 = arith.constant 0 : i32
        %dma_start3A_355 = tpu.memref_slice %arg7[%rem3A_353, %dma_start3A_354] : memref<400x128xf32, #tpu.memory_space<vmem_shared>> -> memref<128x128xf32, #tpu.memory_space<vmem_shared>>
        %dma_start3A_356 = arith.constant 0 : i32
        %dma_start3A_357 = tpu.memref_slice %arg7[%rem3A_353, %dma_start3A_356] : memref<400x128xf32, #tpu.memory_space<vmem_shared>> -> memref<128x128xf32, #tpu.memory_space<vmem_shared>>
        tpu.enqueue_dma source(%dma_start3A_357 : memref<128x128xf32, #tpu.memory_space<vmem_shared>>) target(%arg9 : memref<128x128xf32, #tpu.memory_space<vmem>>) target_semaphore(%arg16 : memref<!tpu.dma_semaphore, #tpu.memory_space<semaphore_mem>>)
      } else {
      }
      %add3A_259 = arith.constant 3 : i32
      %add3A_260 = arith.addi %add3A_251, %add3A_259 : i32
      %lt3A_261 = arith.constant 50 : i32
      %lt3A_262 = arith.cmpi slt, %add3A_260, %lt3A_261 : i32
      %convert_element_type3A_263 = arith.extui %lt3A_262 : i1 to i32
      %cond3A_264 = arith.constant 0 : i32
      %cond3A_265 = arith.cmpi ne, %convert_element_type3A_263, %cond3A_264 : i32
      scf.if %cond3A_265 {
        %add3A_341 = arith.constant 3 : i32
        %add3A_342 = arith.addi %add3A_251, %add3A_341 : i32
        %mul3A_343 = arith.constant 128 : i32
        %mul3A_344 = arith.muli %add3A_342, %mul3A_343 : i32
        %rem3A_345 = arith.constant 200 : i32
        %rem3A_346 = arith.remsi %mul3A_344, %rem3A_345 : i32
        %dma_wait3A_347 = arith.constant 0 : i32
        %dma_wait3A_348 = tpu.memref_slice %arg7[%rem3A_346, %dma_wait3A_347] : memref<400x128xf32, #tpu.memory_space<vmem_shared>> -> memref<128x128xf32, #tpu.memory_space<vmem_shared>>
        %dma_wait3A_349 = arith.constant 0 : i32
        %dma_wait3A_350 = tpu.memref_slice %arg7[%rem3A_346, %dma_wait3A_349] : memref<400x128xf32, #tpu.memory_space<vmem_shared>> -> memref<128x128xf32, #tpu.memory_space<vmem_shared>>
        tpu.wait_dma2 semaphore(%arg15 : memref<!tpu.dma_semaphore, #tpu.memory_space<semaphore_mem>>) src(%dma_wait3A_350 : memref<128x128xf32, #tpu.memory_space<vmem_shared>>) dst(%arg8 : memref<128x128xf32, #tpu.memory_space<vmem>>)
        %add3A_351 = arith.constant 3 : i32
        %add3A_352 = arith.addi %add3A_251, %add3A_351 : i32
        %mul3A_353 = arith.constant 128 : i32
        %mul3A_354 = arith.muli %add3A_352, %mul3A_353 : i32
        %dma_start3A_355 = tpu.memref_slice %arg6[%mul3A_354] : memref<6400xi32, #tpu.memory_space<vmem>> -> memref<128xi32, #tpu.memory_space<vmem>>
        %dma_start3A_356 = arith.constant 0 : i32
        %dma_start3A_357 = arith.constant 0 : i32
        %dma_start3A_358 = tpu.memref_slice %arg3[%dma_start3A_356, %dma_start3A_357] : memref<100000x128xf32, #tpu.memory_space<hbm>> -> memref<100000x128xf32, #tpu.memory_space<hbm>>
        tpu.enqueue_indirect_dma source(%dma_start3A_358 : memref<100000x128xf32, #tpu.memory_space<hbm>>) target(%arg8 : memref<128x128xf32, #tpu.memory_space<vmem>>) offsets(%dma_start3A_355 : memref<128xi32, #tpu.memory_space<vmem>>) semaphore(%arg22 : memref<!tpu.dma_semaphore, #tpu.memory_space<semaphore_mem>>) {add = true}
      } else {
      }
      %mul3A_266 = arith.constant 128 : i32
      %mul3A_267 = arith.muli %add3A_251, %mul3A_266 : i32
      %dma_wait3A_268 = tpu.memref_slice %arg6[%mul3A_267] : memref<6400xi32, #tpu.memory_space<vmem>> -> memref<128xi32, #tpu.memory_space<vmem>>
      %dma_wait3A_269 = arith.constant 0 : i32
      %dma_wait3A_270 = arith.constant 0 : i32
      %dma_wait3A_271 = tpu.memref_slice %arg3[%dma_wait3A_269, %dma_wait3A_270] : memref<100000x128xf32, #tpu.memory_space<hbm>> -> memref<100000x128xf32, #tpu.memory_space<hbm>>
      tpu.wait_indirect_dma semaphore(%arg26 : memref<!tpu.dma_semaphore, #tpu.memory_space<semaphore_mem>>) src(%dma_wait3A_271 : memref<100000x128xf32, #tpu.memory_space<hbm>>) dst(%arg12 : memref<128x128xf32, #tpu.memory_space<vmem>>)
      %mul3A_272 = arith.constant 128 : i32
      %mul3A_273 = arith.muli %add3A_251, %mul3A_272 : i32
      %add3A_274 = arith.addi %mul3A_2, %mul3A_273 : i32
      %dma_start3A_275 = arith.constant 0 : i32
      %dma_start3A_276 = tpu.memref_slice %arg5[%add3A_274, %dma_start3A_275] : memref<204800x128xf32, #tpu.memory_space<hbm>> -> memref<128x128xf32, #tpu.memory_space<hbm>>
      %dma_start3A_277 = arith.constant 0 : i32
      %dma_start3A_278 = tpu.memref_slice %arg5[%add3A_274, %dma_start3A_277] : memref<204800x128xf32, #tpu.memory_space<hbm>> -> memref<128x128xf32, #tpu.memory_space<hbm>>
      tpu.enqueue_dma source(%arg12 : memref<128x128xf32, #tpu.memory_space<vmem>>) target(%dma_start3A_278 : memref<128x128xf32, #tpu.memory_space<hbm>>) target_semaphore(%arg33 : memref<!tpu.dma_semaphore, #tpu.memory_space<semaphore_mem>>)
      %mul3A_279 = arith.constant 7 : i32
      %mul3A_280 = arith.muli %scan3A_124, %mul3A_279 : i32
      %add3A_281 = arith.constant 5 : i32
      %add3A_282 = arith.addi %mul3A_280, %add3A_281 : i32
      %add3A_283 = arith.constant 4 : i32
      %add3A_284 = arith.addi %add3A_282, %add3A_283 : i32
      %lt3A_285 = arith.constant 50 : i32
      %lt3A_286 = arith.cmpi slt, %add3A_284, %lt3A_285 : i32
      %convert_element_type3A_287 = arith.extui %lt3A_286 : i1 to i32
      %cond3A_288 = arith.constant 0 : i32
      %cond3A_289 = arith.cmpi ne, %convert_element_type3A_287, %cond3A_288 : i32
      scf.if %cond3A_289 {
        %add3A_341 = arith.constant 4 : i32
        %add3A_342 = arith.addi %add3A_282, %add3A_341 : i32
        %sub3A = arith.constant 7 : i32
        %sub3A_343 = arith.subi %add3A_342, %sub3A : i32
        %ge3A = arith.constant 0 : i32
        %ge3A_344 = arith.cmpi sge, %sub3A_343, %ge3A : i32
        %convert_element_type3A_345 = arith.extui %ge3A_344 : i1 to i32
        %cond3A_346 = arith.constant 0 : i32
        %cond3A_347 = arith.cmpi ne, %convert_element_type3A_345, %cond3A_346 : i32
        scf.if %cond3A_347 {
          %add3A_358 = arith.constant 4 : i32
          %add3A_359 = arith.addi %add3A_282, %add3A_358 : i32
          %sub3A_360 = arith.constant 7 : i32
          %sub3A_361 = arith.subi %add3A_359, %sub3A_360 : i32
          %mul3A_362 = arith.constant 128 : i32
          %mul3A_363 = arith.muli %sub3A_361, %mul3A_362 : i32
          %add3A_364 = arith.addi %mul3A_2, %mul3A_363 : i32
          %dma_wait3A_365 = arith.constant 0 : i32
          %dma_wait3A_366 = tpu.memref_slice %arg5[%add3A_364, %dma_wait3A_365] : memref<204800x128xf32, #tpu.memory_space<hbm>> -> memref<128x128xf32, #tpu.memory_space<hbm>>
          %dma_wait3A_367 = arith.constant 0 : i32
          %dma_wait3A_368 = tpu.memref_slice %arg5[%add3A_364, %dma_wait3A_367] : memref<204800x128xf32, #tpu.memory_space<hbm>> -> memref<128x128xf32, #tpu.memory_space<hbm>>
          tpu.wait_dma2 semaphore(%arg31 : memref<!tpu.dma_semaphore, #tpu.memory_space<semaphore_mem>>) src(%arg10 : memref<128x128xf32, #tpu.memory_space<vmem>>) dst(%dma_wait3A_368 : memref<128x128xf32, #tpu.memory_space<hbm>>)
        } else {
        }
        %add3A_348 = arith.constant 4 : i32
        %add3A_349 = arith.addi %add3A_282, %add3A_348 : i32
        %mul3A_350 = arith.constant 128 : i32
        %mul3A_351 = arith.muli %add3A_349, %mul3A_350 : i32
        %rem3A_352 = arith.constant 200 : i32
        %rem3A_353 = arith.remsi %mul3A_351, %rem3A_352 : i32
        %dma_start3A_354 = arith.constant 0 : i32
        %dma_start3A_355 = tpu.memref_slice %arg7[%rem3A_353, %dma_start3A_354] : memref<400x128xf32, #tpu.memory_space<vmem_shared>> -> memref<128x128xf32, #tpu.memory_space<vmem_shared>>
        %dma_start3A_356 = arith.constant 0 : i32
        %dma_start3A_357 = tpu.memref_slice %arg7[%rem3A_353, %dma_start3A_356] : memref<400x128xf32, #tpu.memory_space<vmem_shared>> -> memref<128x128xf32, #tpu.memory_space<vmem_shared>>
        tpu.enqueue_dma source(%dma_start3A_357 : memref<128x128xf32, #tpu.memory_space<vmem_shared>>) target(%arg10 : memref<128x128xf32, #tpu.memory_space<vmem>>) target_semaphore(%arg17 : memref<!tpu.dma_semaphore, #tpu.memory_space<semaphore_mem>>)
      } else {
      }
      %add3A_290 = arith.constant 3 : i32
      %add3A_291 = arith.addi %add3A_282, %add3A_290 : i32
      %lt3A_292 = arith.constant 50 : i32
      %lt3A_293 = arith.cmpi slt, %add3A_291, %lt3A_292 : i32
      %convert_element_type3A_294 = arith.extui %lt3A_293 : i1 to i32
      %cond3A_295 = arith.constant 0 : i32
      %cond3A_296 = arith.cmpi ne, %convert_element_type3A_294, %cond3A_295 : i32
      scf.if %cond3A_296 {
        %add3A_341 = arith.constant 3 : i32
        %add3A_342 = arith.addi %add3A_282, %add3A_341 : i32
        %mul3A_343 = arith.constant 128 : i32
        %mul3A_344 = arith.muli %add3A_342, %mul3A_343 : i32
        %rem3A_345 = arith.constant 200 : i32
        %rem3A_346 = arith.remsi %mul3A_344, %rem3A_345 : i32
        %dma_wait3A_347 = arith.constant 0 : i32
        %dma_wait3A_348 = tpu.memref_slice %arg7[%rem3A_346, %dma_wait3A_347] : memref<400x128xf32, #tpu.memory_space<vmem_shared>> -> memref<128x128xf32, #tpu.memory_space<vmem_shared>>
        %dma_wait3A_349 = arith.constant 0 : i32
        %dma_wait3A_350 = tpu.memref_slice %arg7[%rem3A_346, %dma_wait3A_349] : memref<400x128xf32, #tpu.memory_space<vmem_shared>> -> memref<128x128xf32, #tpu.memory_space<vmem_shared>>
        tpu.wait_dma2 semaphore(%arg16 : memref<!tpu.dma_semaphore, #tpu.memory_space<semaphore_mem>>) src(%dma_wait3A_350 : memref<128x128xf32, #tpu.memory_space<vmem_shared>>) dst(%arg9 : memref<128x128xf32, #tpu.memory_space<vmem>>)
        %add3A_351 = arith.constant 3 : i32
        %add3A_352 = arith.addi %add3A_282, %add3A_351 : i32
        %mul3A_353 = arith.constant 128 : i32
        %mul3A_354 = arith.muli %add3A_352, %mul3A_353 : i32
        %dma_start3A_355 = tpu.memref_slice %arg6[%mul3A_354] : memref<6400xi32, #tpu.memory_space<vmem>> -> memref<128xi32, #tpu.memory_space<vmem>>
        %dma_start3A_356 = arith.constant 0 : i32
        %dma_start3A_357 = arith.constant 0 : i32
        %dma_start3A_358 = tpu.memref_slice %arg3[%dma_start3A_356, %dma_start3A_357] : memref<100000x128xf32, #tpu.memory_space<hbm>> -> memref<100000x128xf32, #tpu.memory_space<hbm>>
        tpu.enqueue_indirect_dma source(%dma_start3A_358 : memref<100000x128xf32, #tpu.memory_space<hbm>>) target(%arg9 : memref<128x128xf32, #tpu.memory_space<vmem>>) offsets(%dma_start3A_355 : memref<128xi32, #tpu.memory_space<vmem>>) semaphore(%arg23 : memref<!tpu.dma_semaphore, #tpu.memory_space<semaphore_mem>>) {add = true}
      } else {
      }
      %mul3A_297 = arith.constant 128 : i32
      %mul3A_298 = arith.muli %add3A_282, %mul3A_297 : i32
      %dma_wait3A_299 = tpu.memref_slice %arg6[%mul3A_298] : memref<6400xi32, #tpu.memory_space<vmem>> -> memref<128xi32, #tpu.memory_space<vmem>>
      %dma_wait3A_300 = arith.constant 0 : i32
      %dma_wait3A_301 = arith.constant 0 : i32
      %dma_wait3A_302 = tpu.memref_slice %arg3[%dma_wait3A_300, %dma_wait3A_301] : memref<100000x128xf32, #tpu.memory_space<hbm>> -> memref<100000x128xf32, #tpu.memory_space<hbm>>
      tpu.wait_indirect_dma semaphore(%arg27 : memref<!tpu.dma_semaphore, #tpu.memory_space<semaphore_mem>>) src(%dma_wait3A_302 : memref<100000x128xf32, #tpu.memory_space<hbm>>) dst(%arg13 : memref<128x128xf32, #tpu.memory_space<vmem>>)
      %mul3A_303 = arith.constant 128 : i32
      %mul3A_304 = arith.muli %add3A_282, %mul3A_303 : i32
      %add3A_305 = arith.addi %mul3A_2, %mul3A_304 : i32
      %dma_start3A_306 = arith.constant 0 : i32
      %dma_start3A_307 = tpu.memref_slice %arg5[%add3A_305, %dma_start3A_306] : memref<204800x128xf32, #tpu.memory_space<hbm>> -> memref<128x128xf32, #tpu.memory_space<hbm>>
      %dma_start3A_308 = arith.constant 0 : i32
      %dma_start3A_309 = tpu.memref_slice %arg5[%add3A_305, %dma_start3A_308] : memref<204800x128xf32, #tpu.memory_space<hbm>> -> memref<128x128xf32, #tpu.memory_space<hbm>>
      tpu.enqueue_dma source(%arg13 : memref<128x128xf32, #tpu.memory_space<vmem>>) target(%dma_start3A_309 : memref<128x128xf32, #tpu.memory_space<hbm>>) target_semaphore(%arg34 : memref<!tpu.dma_semaphore, #tpu.memory_space<semaphore_mem>>)
      %mul3A_310 = arith.constant 7 : i32
      %mul3A_311 = arith.muli %scan3A_124, %mul3A_310 : i32
      %add3A_312 = arith.constant 6 : i32
      %add3A_313 = arith.addi %mul3A_311, %add3A_312 : i32
      %add3A_314 = arith.constant 4 : i32
      %add3A_315 = arith.addi %add3A_313, %add3A_314 : i32
      %lt3A_316 = arith.constant 50 : i32
      %lt3A_317 = arith.cmpi slt, %add3A_315, %lt3A_316 : i32
      %convert_element_type3A_318 = arith.extui %lt3A_317 : i1 to i32
      %cond3A_319 = arith.constant 0 : i32
      %cond3A_320 = arith.cmpi ne, %convert_element_type3A_318, %cond3A_319 : i32
      scf.if %cond3A_320 {
        %add3A_341 = arith.constant 4 : i32
        %add3A_342 = arith.addi %add3A_313, %add3A_341 : i32
        %sub3A = arith.constant 7 : i32
        %sub3A_343 = arith.subi %add3A_342, %sub3A : i32
        %ge3A = arith.constant 0 : i32
        %ge3A_344 = arith.cmpi sge, %sub3A_343, %ge3A : i32
        %convert_element_type3A_345 = arith.extui %ge3A_344 : i1 to i32
        %cond3A_346 = arith.constant 0 : i32
        %cond3A_347 = arith.cmpi ne, %convert_element_type3A_345, %cond3A_346 : i32
        scf.if %cond3A_347 {
          %add3A_358 = arith.constant 4 : i32
          %add3A_359 = arith.addi %add3A_313, %add3A_358 : i32
          %sub3A_360 = arith.constant 7 : i32
          %sub3A_361 = arith.subi %add3A_359, %sub3A_360 : i32
          %mul3A_362 = arith.constant 128 : i32
          %mul3A_363 = arith.muli %sub3A_361, %mul3A_362 : i32
          %add3A_364 = arith.addi %mul3A_2, %mul3A_363 : i32
          %dma_wait3A_365 = arith.constant 0 : i32
          %dma_wait3A_366 = tpu.memref_slice %arg5[%add3A_364, %dma_wait3A_365] : memref<204800x128xf32, #tpu.memory_space<hbm>> -> memref<128x128xf32, #tpu.memory_space<hbm>>
          %dma_wait3A_367 = arith.constant 0 : i32
          %dma_wait3A_368 = tpu.memref_slice %arg5[%add3A_364, %dma_wait3A_367] : memref<204800x128xf32, #tpu.memory_space<hbm>> -> memref<128x128xf32, #tpu.memory_space<hbm>>
          tpu.wait_dma2 semaphore(%arg32 : memref<!tpu.dma_semaphore, #tpu.memory_space<semaphore_mem>>) src(%arg11 : memref<128x128xf32, #tpu.memory_space<vmem>>) dst(%dma_wait3A_368 : memref<128x128xf32, #tpu.memory_space<hbm>>)
        } else {
        }
        %add3A_348 = arith.constant 4 : i32
        %add3A_349 = arith.addi %add3A_313, %add3A_348 : i32
        %mul3A_350 = arith.constant 128 : i32
        %mul3A_351 = arith.muli %add3A_349, %mul3A_350 : i32
        %rem3A_352 = arith.constant 200 : i32
        %rem3A_353 = arith.remsi %mul3A_351, %rem3A_352 : i32
        %dma_start3A_354 = arith.constant 0 : i32
        %dma_start3A_355 = tpu.memref_slice %arg7[%rem3A_353, %dma_start3A_354] : memref<400x128xf32, #tpu.memory_space<vmem_shared>> -> memref<128x128xf32, #tpu.memory_space<vmem_shared>>
        %dma_start3A_356 = arith.constant 0 : i32
        %dma_start3A_357 = tpu.memref_slice %arg7[%rem3A_353, %dma_start3A_356] : memref<400x128xf32, #tpu.memory_space<vmem_shared>> -> memref<128x128xf32, #tpu.memory_space<vmem_shared>>
        tpu.enqueue_dma source(%dma_start3A_357 : memref<128x128xf32, #tpu.memory_space<vmem_shared>>) target(%arg11 : memref<128x128xf32, #tpu.memory_space<vmem>>) target_semaphore(%arg18 : memref<!tpu.dma_semaphore, #tpu.memory_space<semaphore_mem>>)
      } else {
      }
      %add3A_321 = arith.constant 3 : i32
      %add3A_322 = arith.addi %add3A_313, %add3A_321 : i32
      %lt3A_323 = arith.constant 50 : i32
      %lt3A_324 = arith.cmpi slt, %add3A_322, %lt3A_323 : i32
      %convert_element_type3A_325 = arith.extui %lt3A_324 : i1 to i32
      %cond3A_326 = arith.constant 0 : i32
      %cond3A_327 = arith.cmpi ne, %convert_element_type3A_325, %cond3A_326 : i32
      scf.if %cond3A_327 {
        %add3A_341 = arith.constant 3 : i32
        %add3A_342 = arith.addi %add3A_313, %add3A_341 : i32
        %mul3A_343 = arith.constant 128 : i32
        %mul3A_344 = arith.muli %add3A_342, %mul3A_343 : i32
        %rem3A_345 = arith.constant 200 : i32
        %rem3A_346 = arith.remsi %mul3A_344, %rem3A_345 : i32
        %dma_wait3A_347 = arith.constant 0 : i32
        %dma_wait3A_348 = tpu.memref_slice %arg7[%rem3A_346, %dma_wait3A_347] : memref<400x128xf32, #tpu.memory_space<vmem_shared>> -> memref<128x128xf32, #tpu.memory_space<vmem_shared>>
        %dma_wait3A_349 = arith.constant 0 : i32
        %dma_wait3A_350 = tpu.memref_slice %arg7[%rem3A_346, %dma_wait3A_349] : memref<400x128xf32, #tpu.memory_space<vmem_shared>> -> memref<128x128xf32, #tpu.memory_space<vmem_shared>>
        tpu.wait_dma2 semaphore(%arg17 : memref<!tpu.dma_semaphore, #tpu.memory_space<semaphore_mem>>) src(%dma_wait3A_350 : memref<128x128xf32, #tpu.memory_space<vmem_shared>>) dst(%arg10 : memref<128x128xf32, #tpu.memory_space<vmem>>)
        %add3A_351 = arith.constant 3 : i32
        %add3A_352 = arith.addi %add3A_313, %add3A_351 : i32
        %mul3A_353 = arith.constant 128 : i32
        %mul3A_354 = arith.muli %add3A_352, %mul3A_353 : i32
        %dma_start3A_355 = tpu.memref_slice %arg6[%mul3A_354] : memref<6400xi32, #tpu.memory_space<vmem>> -> memref<128xi32, #tpu.memory_space<vmem>>
        %dma_start3A_356 = arith.constant 0 : i32
        %dma_start3A_357 = arith.constant 0 : i32
        %dma_start3A_358 = tpu.memref_slice %arg3[%dma_start3A_356, %dma_start3A_357] : memref<100000x128xf32, #tpu.memory_space<hbm>> -> memref<100000x128xf32, #tpu.memory_space<hbm>>
        tpu.enqueue_indirect_dma source(%dma_start3A_358 : memref<100000x128xf32, #tpu.memory_space<hbm>>) target(%arg10 : memref<128x128xf32, #tpu.memory_space<vmem>>) offsets(%dma_start3A_355 : memref<128xi32, #tpu.memory_space<vmem>>) semaphore(%arg24 : memref<!tpu.dma_semaphore, #tpu.memory_space<semaphore_mem>>) {add = true}
      } else {
      }
      %mul3A_328 = arith.constant 128 : i32
      %mul3A_329 = arith.muli %add3A_313, %mul3A_328 : i32
      %dma_wait3A_330 = tpu.memref_slice %arg6[%mul3A_329] : memref<6400xi32, #tpu.memory_space<vmem>> -> memref<128xi32, #tpu.memory_space<vmem>>
      %dma_wait3A_331 = arith.constant 0 : i32
      %dma_wait3A_332 = arith.constant 0 : i32
      %dma_wait3A_333 = tpu.memref_slice %arg3[%dma_wait3A_331, %dma_wait3A_332] : memref<100000x128xf32, #tpu.memory_space<hbm>> -> memref<100000x128xf32, #tpu.memory_space<hbm>>
      tpu.wait_indirect_dma semaphore(%arg28 : memref<!tpu.dma_semaphore, #tpu.memory_space<semaphore_mem>>) src(%dma_wait3A_333 : memref<100000x128xf32, #tpu.memory_space<hbm>>) dst(%arg14 : memref<128x128xf32, #tpu.memory_space<vmem>>)
      %mul3A_334 = arith.constant 128 : i32
      %mul3A_335 = arith.muli %add3A_313, %mul3A_334 : i32
      %add3A_336 = arith.addi %mul3A_2, %mul3A_335 : i32
      %dma_start3A_337 = arith.constant 0 : i32
      %dma_start3A_338 = tpu.memref_slice %arg5[%add3A_336, %dma_start3A_337] : memref<204800x128xf32, #tpu.memory_space<hbm>> -> memref<128x128xf32, #tpu.memory_space<hbm>>
      %dma_start3A_339 = arith.constant 0 : i32
      %dma_start3A_340 = tpu.memref_slice %arg5[%add3A_336, %dma_start3A_339] : memref<204800x128xf32, #tpu.memory_space<hbm>> -> memref<128x128xf32, #tpu.memory_space<hbm>>
      tpu.enqueue_dma source(%arg14 : memref<128x128xf32, #tpu.memory_space<vmem>>) target(%dma_start3A_340 : memref<128x128xf32, #tpu.memory_space<hbm>>) target_semaphore(%arg35 : memref<!tpu.dma_semaphore, #tpu.memory_space<semaphore_mem>>)
    }
    %scan3A_70 = arith.constant 7 : i32
    %dma_wait3A_71 = arith.constant 6272 : i32
    %dma_wait3A_72 = tpu.memref_slice %arg6[%dma_wait3A_71] : memref<6400xi32, #tpu.memory_space<vmem>> -> memref<128xi32, #tpu.memory_space<vmem>>
    %dma_wait3A_73 = arith.constant 0 : i32
    %dma_wait3A_74 = arith.constant 0 : i32
    %dma_wait3A_75 = tpu.memref_slice %arg3[%dma_wait3A_73, %dma_wait3A_74] : memref<100000x128xf32, #tpu.memory_space<hbm>> -> memref<100000x128xf32, #tpu.memory_space<hbm>>
    tpu.wait_indirect_dma semaphore(%arg22 : memref<!tpu.dma_semaphore, #tpu.memory_space<semaphore_mem>>) src(%dma_wait3A_75 : memref<100000x128xf32, #tpu.memory_space<hbm>>) dst(%arg8 : memref<128x128xf32, #tpu.memory_space<vmem>>)
    %add3A_76 = arith.constant 6272 : i32
    %add3A_77 = arith.addi %mul3A_2, %add3A_76 : i32
    %dma_start3A_78 = arith.constant 0 : i32
    %dma_start3A_79 = tpu.memref_slice %arg5[%add3A_77, %dma_start3A_78] : memref<204800x128xf32, #tpu.memory_space<hbm>> -> memref<128x128xf32, #tpu.memory_space<hbm>>
    %dma_start3A_80 = arith.constant 0 : i32
    %dma_start3A_81 = tpu.memref_slice %arg5[%add3A_77, %dma_start3A_80] : memref<204800x128xf32, #tpu.memory_space<hbm>> -> memref<128x128xf32, #tpu.memory_space<hbm>>
    tpu.enqueue_dma source(%arg8 : memref<128x128xf32, #tpu.memory_space<vmem>>) target(%dma_start3A_81 : memref<128x128xf32, #tpu.memory_space<hbm>>) target_semaphore(%arg29 : memref<!tpu.dma_semaphore, #tpu.memory_space<semaphore_mem>>)
    %add3A_82 = arith.constant 5504 : i32
    %add3A_83 = arith.addi %mul3A_2, %add3A_82 : i32
    %dma_wait3A_84 = arith.constant 0 : i32
    %dma_wait3A_85 = tpu.memref_slice %arg5[%add3A_83, %dma_wait3A_84] : memref<204800x128xf32, #tpu.memory_space<hbm>> -> memref<128x128xf32, #tpu.memory_space<hbm>>
    %dma_wait3A_86 = arith.constant 0 : i32
    %dma_wait3A_87 = tpu.memref_slice %arg5[%add3A_83, %dma_wait3A_86] : memref<204800x128xf32, #tpu.memory_space<hbm>> -> memref<128x128xf32, #tpu.memory_space<hbm>>
    tpu.wait_dma2 semaphore(%arg30 : memref<!tpu.dma_semaphore, #tpu.memory_space<semaphore_mem>>) src(%arg9 : memref<128x128xf32, #tpu.memory_space<vmem>>) dst(%dma_wait3A_87 : memref<128x128xf32, #tpu.memory_space<hbm>>)
    %add3A_88 = arith.constant 5632 : i32
    %add3A_89 = arith.addi %mul3A_2, %add3A_88 : i32
    %dma_wait3A_90 = arith.constant 0 : i32
    %dma_wait3A_91 = tpu.memref_slice %arg5[%add3A_89, %dma_wait3A_90] : memref<204800x128xf32, #tpu.memory_space<hbm>> -> memref<128x128xf32, #tpu.memory_space<hbm>>
    %dma_wait3A_92 = arith.constant 0 : i32
    %dma_wait3A_93 = tpu.memref_slice %arg5[%add3A_89, %dma_wait3A_92] : memref<204800x128xf32, #tpu.memory_space<hbm>> -> memref<128x128xf32, #tpu.memory_space<hbm>>
    tpu.wait_dma2 semaphore(%arg31 : memref<!tpu.dma_semaphore, #tpu.memory_space<semaphore_mem>>) src(%arg10 : memref<128x128xf32, #tpu.memory_space<vmem>>) dst(%dma_wait3A_93 : memref<128x128xf32, #tpu.memory_space<hbm>>)
    %add3A_94 = arith.constant 5760 : i32
    %add3A_95 = arith.addi %mul3A_2, %add3A_94 : i32
    %dma_wait3A_96 = arith.constant 0 : i32
    %dma_wait3A_97 = tpu.memref_slice %arg5[%add3A_95, %dma_wait3A_96] : memref<204800x128xf32, #tpu.memory_space<hbm>> -> memref<128x128xf32, #tpu.memory_space<hbm>>
    %dma_wait3A_98 = arith.constant 0 : i32
    %dma_wait3A_99 = tpu.memref_slice %arg5[%add3A_95, %dma_wait3A_98] : memref<204800x128xf32, #tpu.memory_space<hbm>> -> memref<128x128xf32, #tpu.memory_space<hbm>>
    tpu.wait_dma2 semaphore(%arg32 : memref<!tpu.dma_semaphore, #tpu.memory_space<semaphore_mem>>) src(%arg11 : memref<128x128xf32, #tpu.memory_space<vmem>>) dst(%dma_wait3A_99 : memref<128x128xf32, #tpu.memory_space<hbm>>)
    %add3A_100 = arith.constant 5888 : i32
    %add3A_101 = arith.addi %mul3A_2, %add3A_100 : i32
    %dma_wait3A_102 = arith.constant 0 : i32
    %dma_wait3A_103 = tpu.memref_slice %arg5[%add3A_101, %dma_wait3A_102] : memref<204800x128xf32, #tpu.memory_space<hbm>> -> memref<128x128xf32, #tpu.memory_space<hbm>>
    %dma_wait3A_104 = arith.constant 0 : i32
    %dma_wait3A_105 = tpu.memref_slice %arg5[%add3A_101, %dma_wait3A_104] : memref<204800x128xf32, #tpu.memory_space<hbm>> -> memref<128x128xf32, #tpu.memory_space<hbm>>
    tpu.wait_dma2 semaphore(%arg33 : memref<!tpu.dma_semaphore, #tpu.memory_space<semaphore_mem>>) src(%arg12 : memref<128x128xf32, #tpu.memory_space<vmem>>) dst(%dma_wait3A_105 : memref<128x128xf32, #tpu.memory_space<hbm>>)
    %add3A_106 = arith.constant 6016 : i32
    %add3A_107 = arith.addi %mul3A_2, %add3A_106 : i32
    %dma_wait3A_108 = arith.constant 0 : i32
    %dma_wait3A_109 = tpu.memref_slice %arg5[%add3A_107, %dma_wait3A_108] : memref<204800x128xf32, #tpu.memory_space<hbm>> -> memref<128x128xf32, #tpu.memory_space<hbm>>
    %dma_wait3A_110 = arith.constant 0 : i32
    %dma_wait3A_111 = tpu.memref_slice %arg5[%add3A_107, %dma_wait3A_110] : memref<204800x128xf32, #tpu.memory_space<hbm>> -> memref<128x128xf32, #tpu.memory_space<hbm>>
    tpu.wait_dma2 semaphore(%arg34 : memref<!tpu.dma_semaphore, #tpu.memory_space<semaphore_mem>>) src(%arg13 : memref<128x128xf32, #tpu.memory_space<vmem>>) dst(%dma_wait3A_111 : memref<128x128xf32, #tpu.memory_space<hbm>>)
    %add3A_112 = arith.constant 6144 : i32
    %add3A_113 = arith.addi %mul3A_2, %add3A_112 : i32
    %dma_wait3A_114 = arith.constant 0 : i32
    %dma_wait3A_115 = tpu.memref_slice %arg5[%add3A_113, %dma_wait3A_114] : memref<204800x128xf32, #tpu.memory_space<hbm>> -> memref<128x128xf32, #tpu.memory_space<hbm>>
    %dma_wait3A_116 = arith.constant 0 : i32
    %dma_wait3A_117 = tpu.memref_slice %arg5[%add3A_113, %dma_wait3A_116] : memref<204800x128xf32, #tpu.memory_space<hbm>> -> memref<128x128xf32, #tpu.memory_space<hbm>>
    tpu.wait_dma2 semaphore(%arg35 : memref<!tpu.dma_semaphore, #tpu.memory_space<semaphore_mem>>) src(%arg14 : memref<128x128xf32, #tpu.memory_space<vmem>>) dst(%dma_wait3A_117 : memref<128x128xf32, #tpu.memory_space<hbm>>)
    %add3A_118 = arith.constant 6272 : i32
    %add3A_119 = arith.addi %mul3A_2, %add3A_118 : i32
    %dma_wait3A_120 = arith.constant 0 : i32
    %dma_wait3A_121 = tpu.memref_slice %arg5[%add3A_119, %dma_wait3A_120] : memref<204800x128xf32, #tpu.memory_space<hbm>> -> memref<128x128xf32, #tpu.memory_space<hbm>>
    %dma_wait3A_122 = arith.constant 0 : i32
    %dma_wait3A_123 = tpu.memref_slice %arg5[%add3A_119, %dma_wait3A_122] : memref<204800x128xf32, #tpu.memory_space<hbm>> -> memref<128x128xf32, #tpu.memory_space<hbm>>
    tpu.wait_dma2 semaphore(%arg29 : memref<!tpu.dma_semaphore, #tpu.memory_space<semaphore_mem>>) src(%arg8 : memref<128x128xf32, #tpu.memory_space<vmem>>) dst(%dma_wait3A_123 : memref<128x128xf32, #tpu.memory_space<hbm>>)
    return
  }
}

</mosaic_0001>

<sc_bundles>
// kernel: kernel.3.cloned.1.call-start
scs
__scs_entry_jumppad:
0x0: {  	(pc) =	sbr.rel $0x88, $3  }
0x1: {  	(tag) =	ssettag $0x0;
	lr =	simm.s32 $0x1  }
0x2: {  	[smem:$0x3F9E] =	sst lr;
	_ =	strace $0xD0000000  }
0x3: {  	_ = 	snop  }
0x4: {  	_ = 	snop  }
0x5: {  	_ = 	snop  }
0x6: {  	_ = 	snop  }
0x7: {  	_ = 	snop  }
__scs_overlays_trampoline_lowered:
0x8: {  	[smem:$0x3FAD] =	sst s0  }
0x9: {  	[smem:$0x3FAE] =	sst s1  }
0xa: {  	[smem:$0x3FAF] =	sst s2  }
0xb: {  	[smem:$0x3FB0] =	sst s3  }
0xc: {  	[smem:$0x3FB1] =	sst s4  }
0xd: {  	[smem:$0x3FB2] =	sst s5  }
0xe: {  	[smem:$0x3FB3] =	sst s6  }
0xf: {  	[smem:$0x3FB4] =	sst s7  }
0x10: {  	[smem:$0x3FB5] =	sst s8  }
0x11: {  	[smem:$0x3FB6] =	sst s9;
	s0 =	simm.s32 @!p0 $0x0  }
0x12: {  	s1 =	sld [smem:$0x3F9C];
	s0 =	simm.s32 @p0 $0x1  }
0x13: {  	[smem:$0x3FB7] =	sst s0;
	s0 =	simm.s32 @!p1 $0x0  }
0x14: {  	s2 =	sld [smem:$0x3F9B];
	s0 =	simm.s32 @p1 $0x1  }
0x15: {  	[smem:$0x3FB8] =	sst s0;
	s0 =	simm.s32 @!p2 $0x0  }
0x16: {  	s3 =	sld [smem:$0x3FDB];
	s0 =	simm.s32 @p2 $0x1  }
0x17: {  	s4 =	simm.s32 $0x1BF5;
	[smem:$0x3FBA] =	sst s0  }
0x18: {  	s0 =	sld [smem:$0x3F9D];
	_ =	swait.ge [sflag:s4], $0x0  }
0x19: {  	s7 =	sld [smem:$0x3F9E]  }
0x1a: {  	s8 =	sadd.s32 $0xFFFFE003, lr  }
0x1b: {  	s9 =	sadd.s32 $0xFFFFFEF7, lr;
	s5 =	simm.s32 $0xFFFFFFFF;
	p2 =	slt.u32 s8, $0xFFFFF086  }
0x1c: {  	p1 =	slt.u32 s9, $0xF7A;
	s5 =	simm.s32 @!p2 $0x0  }
0x1d: {  	s5 =	simm.s32 @p1 $0x1;
	p0 =	seq.s32 s7, s2  }
0x1e: {  	s7 =	smul.u32 @!p0 $0xF7A, s2;
	p2 =	seq.s32 @!p0 s5, $0x0  }
0x1f: {  	s9 =	smul.u32 $0xF7A, s1;
	s8 =	simm.s32 @!p0 $0x1BF5;
	p2 =	por !p2, p0  }
0x20: {  	[sflag:s8] =	ssyncset.s32 @!p0 $0xFFFFF086;
	s6 =	sadd.s32 @!p0 s3, s7;
	s7 =	simm.s32 @!p0 $0x108  }
0x21: {  	s3 =	sadd.s32 s3, s9;
	s6 =	sadd.s32 @!p0 $0x88, s6;
	s7 =	simm.s32 @p2 $0x1082  }
0x22: {  	[simem:s7], [sflag:s8] =	dma.local @!p0 [hbm:s6], $0xF7A  }
0x23: {  	s9 =	sor.u32 $0xD0000000, s2;
	s6 =	simm.s32 $0x108;
	_ =	swait.ge @!p0 [sflag:s8], $0x0  }
0x24: {  	s3 =	sadd.s32 $0x88, s3;
	s6 =	simm.s32 @!p1 $0x1082;
	[sflag:s4] =	ssyncset.s32 $0xFFFFF086  }
0x25: {  	[simem:s6], [sflag:s4] =	dma.local [hbm:s3], $0xF7A  }
0x26: {  	[smem:$0x3F9E] =	sst s1;
	(tag) =	ssettag s2;
	_ =	strace s9  }
0x27: {  	s1 =	sld [smem:$0x3FAE]  }
0x28: {  	s2 =	sld [smem:$0x3FAF]  }
0x29: {  	s4 =	sld [smem:$0x3FB1]  }
0x2a: {  	p0 =	seq.s32 s5, $0x0;
	s5 =	sld [smem:$0x3FB2]  }
0x2b: {  	s6 =	sld [smem:$0x3FB3]  }
0x2c: {  	s7 =	sld [smem:$0x3FB4]  }
0x2d: {  	s3 =	simm.s32 $0x108;
	s8 =	sld [smem:$0x3FB5]  }
0x2e: {  	s3 =	simm.s32 @!p0 $0x1082;
	s9 =	sld [smem:$0x3FB6]  }
0x2f: {  	lr =	sadd.s32 s0, s3;
	s0 =	sld [smem:$0x3FAD]  }
0x30: {  	s3 =	sld [smem:$0x3FB0]  }
0x31: {  	[smem:$0x3FB9] =	sst s10  }
0x32: {  	s10 =	sld [smem:$0x3FB7];
	_ =	sdelay $0x3  }
0x33: {  	p0 =	seq.s32 s10, $0x1;
	s10 =	sld [smem:$0x3FB9];
	_ =	sdelay $0x3  }
0x34: {  	[smem:$0x3FB9] =	sst s10  }
0x35: {  	s10 =	sld [smem:$0x3FB8];
	_ =	sdelay $0x3  }
0x36: {  	p1 =	seq.s32 s10, $0x1;
	s10 =	sld [smem:$0x3FB9];
	_ =	sdelay $0x3  }
0x37: {  	[smem:$0x3FB9] =	sst s10  }
0x38: {  	s10 =	sld [smem:$0x3FBA]  }
0x39: {  	_ = 	snop;
	(pc) =	sbr.ind lr, $3  }
0x3a: {  	_ = 	snop  }
0x3b: {  	_ = 	snop  }
0x3c: {  	p2 =	seq.s32 s10, $0x1;
	s10 =	sld [smem:$0x3FB9]  }
0x3d: {  	_ =	shalt  }
0x3e: {  	_ =	shalt  }
0x3f: {  	_ =	shalt  }
0x40: {  	_ =	shalt  }
0x41: {  	_ =	shalt  }
0x42: {  	_ =	shalt  }
0x43: {  	_ =	shalt  }
0x44: {  	_ =	shalt  }
0x45: {  	_ =	shalt  }
0x46: {  	_ =	shalt  }
0x47: {  	_ =	shalt  }
0x48: {  	_ =	shalt  }
0x49: {  	_ =	shalt  }
0x4a: {  	_ =	shalt  }
0x4b: {  	_ =	shalt  }
0x4c: {  	_ =	shalt  }
0x4d: {  	_ =	shalt  }
0x4e: {  	_ =	shalt  }
0x4f: {  	_ =	shalt  }
0x50: {  	_ =	shalt  }
0x51: {  	_ =	shalt  }
0x52: {  	_ =	shalt  }
0x53: {  	_ =	shalt  }
0x54: {  	_ =	shalt  }
0x55: {  	_ =	shalt  }
0x56: {  	_ =	shalt  }
0x57: {  	_ =	shalt  }
0x58: {  	_ =	shalt  }
0x59: {  	_ =	shalt  }
0x5a: {  	_ =	shalt  }
0x5b: {  	_ =	shalt  }
0x5c: {  	_ =	shalt  }
0x5d: {  	_ =	shalt  }
0x5e: {  	_ =	shalt  }
0x5f: {  	_ =	shalt  }
0x60: {  	_ =	shalt  }
0x61: {  	_ =	shalt  }
0x62: {  	_ =	shalt  }
0x63: {  	_ =	shalt  }
0x64: {  	_ =	shalt  }
0x65: {  	_ =	shalt  }
0x66: {  	_ =	shalt  }
0x67: {  	_ =	shalt  }
0x68: {  	_ =	shalt  }
0x69: {  	_ =	shalt  }
0x6a: {  	_ =	shalt  }
0x6b: {  	_ =	shalt  }
0x6c: {  	_ =	shalt  }
0x6d: {  	_ =	shalt  }
0x6e: {  	_ =	shalt  }
0x6f: {  	_ =	shalt  }
0x70: {  	_ =	shalt  }
0x71: {  	_ =	shalt  }
0x72: {  	_ =	shalt  }
0x73: {  	_ =	shalt  }
0x74: {  	_ =	shalt  }
0x75: {  	_ =	shalt  }
0x76: {  	_ =	shalt  }
0x77: {  	_ =	shalt  }
0x78: {  	_ =	shalt  }
0x79: {  	_ =	shalt  }
0x7a: {  	_ =	shalt  }
0x7b: {  	_ =	shalt  }
0x7c: {  	_ =	shalt  }
0x7d: {  	_ =	shalt  }
0x7e: {  	_ =	shalt  }
0x7f: {  	_ =	shalt  }
0x80: {  	_ =	shalt  }
0x81: {  	_ =	shalt  }
0x82: {  	_ =	shalt  }
0x83: {  	_ =	shalt  }
0x84: {  	_ =	shalt  }
0x85: {  	_ =	shalt  }
0x86: {  	_ =	shalt  }
0x87: {  	_ =	shalt  }
.Lfunc_end0:
.L_simem_size_0:
called_computation_lowered:
.L_overlay_start_0:
0x88: {  	s2 =	sld [smem:$0x3FD9]  }
0x89: {  	s3 =	sld [smem:$0x3FFE];
	_ =	sdelay $0x1  }
0x8a: {  	s1 =	srdreg.scid  }
0x8b: {  	s0 =	sand.u32 $0x1, s1  }
0x8c: {  	s17 =	sshll.u32 s0, $0xA;
	s2 =	sadd.s32 s3, s2  }
0x8d: {  	s2 =	sadd.s32 s2, s17  }
0x8e: {  	[smem:$0x3FC5] =	sst s2  }
0x8f: {  	_ = 	snop  }
0x90: {  	s2 =	sld [smem:$0x3FC8]  }
0x91: {  	s18 =	sld [smem:$0x3FC7]  }
0x92: {  	s4 =	sld [smem:$0x3FD0];
	(tm) =	ssettm $0x1  }
0x93: {  	s5 =	sld [smem:$0x3FFB];
	_ =	sdelay $0x3  }
0x94: {  	_ =	strace s5  }
0x95: {  	s5 =	sld [smem:$0x3FFC];
	_ =	sdelay $0x3  }
0x96: {  	_ =	strace s5  }
0x97: {  	s5 =	sld [smem:$0x3FFD];
	_ =	sdelay $0x3  }
0x98: {  	_ =	strace s5  }
0x99: {  	_ =	strace $0x8FFFFFFF  }
0x9a: {  	s19 =	sld [smem:$0x3FDB];
	_ =	sdelay $0x1  }
0x9b: {  	s6 =	simm.s32 $_scs_section_size  }
0x9c: {  	s7 =	simm.s32 $_size__tile_overlayer_lowered;
	s8 =	simm.s32 $_tile_overlayer_lowered  }
0x9d: {  	s22 =	simm.s32 $0x1BFF;
	s21 =	sshll.u32 s8, $0x1;
	s5 =	sadd.s32 s6, s19  }
0x9e: {  	s9 =	simm.s32 $0x0;
	s20 =	sshll.u32 s7, $0x1;
	s7 =	sadd.s32 s21, s5  }
0x9f: {  	[timem:s9], [sflag:s22] =	dma.local [hbm:s7], s20  }
0xa0: {  	_ =	swait.ge [sflag:s22], s20  }
0xa1: {  	s6 =	ssub.s32 $0x0, s20;
	[sflag:s22] =	ssyncset.done $0x0  }
0xa2: {  	[sflag:s22] =	ssyncadd.s32 s6;
	_ =	sdelay $0x1  }
0xa3: {  	s23 =	simm.s32 $0x1B8B  }
0xa4: {  	_ =	swait.ge [sflag:s23], $0x1  }
0xa5: {  	[sflag:s23] =	ssyncset.done $0x0  }
0xa6: {  	s25 =	simm.s32 $0x1B8E;
	s24 =	sld [smem:$0x3FFE];
	[sflag:s23] =	ssyncadd.s32 $0xFFFFFFFF  }
0xa7: {  	s26 =	simm.s32 $execute0_lowered;
	[smem:$0x3FD2] =	sst s25  }
0xa8: {  	s7 =	sshll.u32 s26, $0x1;
	_ =	strace $0x80000046;
	[dreg:$0x1] =	wrdreg $0xFFFFFFFF  }
0xa9: {  	s28 =	simm.s32 $_size_execute0_lowered;
	s5 =	sadd.s32 s5, s7;
	[dreg:$0x0] =	wrdreg $0x0  }
0xaa: {  	s7 =	sshll.u32 s28, $0x1;
	[dreg:$0x2] =	wrdreg s5  }
0xab: {  	[dreg:$0x3] =	wrdreg s7  }
0xac: {  	[dreg:$0x4] =	wrdreg $0xC0  }
0xad: {  	_ =	task [dreg:s9], $0x5FFFF  }
0xae: {  	[dreg:$0x1] =	wrdreg $0xFFFFFFFF  }
0xaf: {  	[dreg:$0x0] =	wrdreg $0x60  }
0xb0: {  	[dreg:$0x2] =	wrdreg s24  }
0xb1: {  	[dreg:$0x3] =	wrdreg s2  }
0xb2: {  	[dreg:$0x4] =	wrdreg s18  }
0xb3: {  	[dreg:$0x5] =	wrdreg s4  }
0xb4: {  	[dreg:$0x6] =	wrdreg $0x19000  }
0xb5: {  	[dreg:$0x7] =	wrdreg $0x9  }
0xb6: {  	_ =	task.clear_ibuf [dreg:s9], $0x8FFFF;
	_ =	strace $0x90000046  }
0xb7: {  	s29 =	simm.s32 $0x9;
	_ =	strace $0x80000048  }
0xb8: {  	_ =	swait.ge [sflag:s29], $0x1  }
0xb9: {  	[sflag:s29] =	ssyncadd.s32 $0xFFFFFFFF  }
0xba: {  	_ =	strace $0x90000048  }
0xbb: {  	_ =	sfence  }
0xbc: {  	s30 =	sld [smem:$0x0];
	_ =	sdelay $0x2  }
0xbd: {  	s31 =	sshll.u32 s1, $0xD;
	s1 =	sshrl.u32 s1, $0x2  }
0xbe: {  	s3 =	sand.u32 $0x4000, s31;
	s1 =	sadd.s32 s1, s30  }
0xbf: {  	s0 =	sor.u32 s3, s0;
	s1 =	sshll.u32 s1, $0x11  }
0xc0: {  	s0 =	sor.u32 s1, s0  }
0xc1: {  	s0 =	sadd.s32 $0x8F2B, s0  }
0xc2: {  	[sflag:s0] =	ssyncadd.remote.s32 $0x1  }
0xc3: {  	_ =	sfence.sel $0xFFFF  }
0xc4: {  	[dreg:$0x0] =	wrdreg $0xFFFFFFFF;
	(pc) =	sbr.abs _section_cstart, $3  }
0xc5: {  	[dreg:$0x1] =	wrdreg $0xFFFFFFFF  }
0xc6: {  	_ =	task.clear_ibuf [dreg:s9], $0x2FFFF;
	_ =	strace $0x9FFFFFFF  }
0xc7: {  	(tm) =	ssettm $0x7FFFFFFF  }
tec
execute0_lowered:
.L_overlay_start_1:
0x0: {  	(tag) =	ssettag $0x1  }
0x1: {  	s1 =	rddreg [dreg:$0x0]  }
0x2: {  	s0 =	rddreg [dreg:$0x1]  }
0x3: {  	s2 =	rddreg [dreg:$0x3];
	s4 =	srdreg.scid  }
0x4: {  	s5 =	stileid.u32;
	s3 =	rddreg [dreg:$0x4];
	s30 =	simm.s32 $0xE580  }
0x5: {  	s31 =	simm.s32 $0x12580;
	s6 =	sand.u32 $0x1, s4;
	s13 =	smul.u32 $0x32000, s5  }
0x6: {  	s7 =	sshll.u32 s5, $0x1;
	s4 =	simm.s32 $0x0;
	s14 =	smul.u32 $0x190000, s5  }
0x7: {  	s11 =	sadd.s32 $0x4000, s3;
	s15 =	sadd.s32 $0x1C00, s3;
	s12 =	sadd.s32 $0x5C00, s3  }
0x8: {  	p0 =	sne.s32 s5, $0x0;
	s5 =	simm.s32 $0xB;
	s7 =	sor.u32 s6, s7  }
0x9: {  	[smem:$0x7FF] =	sst s4;
	s9 =	ssub.s32 $0x2, s6;
	s16 =	smul.u32 $0xC8000, s6  }
0xa: {  	s6 =	smul.u32 $0x19000, s6;
	_ =	strace $0x80000047;
	[dreg:$0xe] =	wrdreg s11  }
0xb: {  	s8 =	smul.u32 $0x1900, s7;
	s10 =	sshrl.u32 s9, $0x1;
	[dreg:$0xf] =	wrdreg s15  }
0xc: {  	s7 =	smul.u32 $0xC8000, s7;
	[dreg:$0x10] =	wrdreg s12;
	s29 =	ssub.s32 s9, s10  }
0xd: {  	s10 =	sadd.s32 $0x6400, s3;
	s9 =	sadd.s32 s13, s2;
	s8 =	sshrl.u32 s8, $0x3  }
0xe: {  	s7 =	sshrl.u32 s7, $0x3;
	s6 =	sadd.s32 s6, s9;
	s29 =	smax.u32 s29, $0x1  }
0xf: {  	s1 =	sadd.s32 s8, s1;
	s7 =	sadd.s32 s2, s7;
	[dreg:$0x6] =	wrdreg s6  }
0x10: {  	[dreg:$0x12] =	wrdreg s29;
	s8 =	simm.s32 $0xE;
	s1 =	sadd.s32 $0x400, s1  }
0x11: {  	s7 =	sadd.s32 $0x18800, s7;
	[dreg:$0xd] =	wrdreg s1;
	s1 =	sadd.s32 s16, s14  }
0x12: {  	[dreg:$0x11] =	wrdreg s7;
	s17 =	sadd.s32 $0x18000, s1;
	s19 =	sadd.s32 $0x14000, s1  }
0x13: {  	s20 =	sadd.s32 $0xC000, s1;
	s24 =	sadd.s32 $0x10000, s1;
	s26 =	sadd.s32 $0x8000, s1  }
0x14: {  	s1 =	sor.u32 $0x4000, s1;
	s18 =	sshrl.u32 s17, $0x3;
	s7 =	sshrl.u32 s19, $0x3  }
0x15: {  	s22 =	sshrl.u32 s20, $0x3;
	s25 =	sshrl.u32 s24, $0x3;
	s6 =	sadd.s32 s18, s2  }
0x16: {  	s1 =	sshrl.u32 s1, $0x3;
	s21 =	sadd.s32 s7, s2;
	[dreg:$0x7] =	wrdreg s6  }
0x17: {  	s19 =	simm.s32 $0x80;
	s23 =	sadd.s32 s22, s2;
	[dreg:$0x8] =	wrdreg s21  }
0x18: {  	s7 =	sshrl.u32 s26, $0x3;
	s1 =	sadd.s32 s1, s2;
	[dreg:$0x9] =	wrdreg s23  }
0x19: {  	s22 =	simm.s32 $0xF;
	s6 =	sadd.s32 s25, s2;
	[dreg:$0xc] =	wrdreg s1  }
0x1a: {  	s28 =	sadd.s32 s7, s2;
	s1 =	sshrl.u32 @!p0 s3, $0x3;
	[dreg:$0xa] =	wrdreg s6  }
0x1b: {  	s2 =	simm.s32 $0xA;
	s7 =	simm.s32 $0xD;
	[dreg:$0xb] =	wrdreg s28  }
0x1c: {  	[dreg:$0x13] =	wrdreg s1;
	s1 =	sshrl.u32 @!p0 s10, $0x3;
	s6 =	simm.s32 $0xC  }
0x1d: {  	s10 =	simm.s32 $0x0;
	[dreg:$0x14] =	wrdreg s1;
	s1 =	simm.s32 $0x7  }
.LBB2_1:
0x1e: {  	[dreg:$0x15] =	wrdreg s10  }
0x1f: {  	s11 =	rddreg [dreg:$0x2]  }
0x20: {  	s9 =	simm.s32 @!p0 $0x1C16;
	s10 =	rddreg [dreg:$0x13]  }
0x21: {  	[spmem:s10], [sflag:s9] =	dma.local @!p0 [hbm:s11], $0xC80  }
0x22: {  	s10 =	simm.s32 @!p0 $0x16  }
0x23: {  	_ =	swait.ge @!p0 [sflag:s10], $0xC80  }
0x24: {  	[sflag:s10] =	ssyncset.done @!p0 $0x0  }
0x25: {  	s12 =	rddreg [dreg:$0x14];
	[sflag:s10] =	ssyncadd.s32 @!p0 $0xFFFFF380  }
0x26: {  	[spmem:s12], [sflag:s9] =	dma.local @!p0 [hbm:s11], $0xC80  }
0x27: {  	_ =	swait.ge @!p0 [sflag:s10], $0xC80  }
0x28: {  	[sflag:s10] =	ssyncset.done @!p0 $0x0  }
0x29: {  	s24 =	simm.s32 $0x16;
	s23 =	rddreg [dreg:$0xd];
	[sflag:s10] =	ssyncadd.s32 @!p0 $0xFFFFF380  }
0x2a: {  	[tilespmem:s4], [sflag:$0x16] =	stream.linear.gather [hbm4b:s23+s4], $0x1900, $0x38;
	[tilespmem:$0x1E580] =	vst v63  }
0x2b: {  	_ =	swait.ge [sflag:s24], $0x1900  }
0x2c: {  	[sflag:s24] =	ssyncset.done $0x0  }
0x2d: {  	[sflag:s24] =	ssyncadd.s32 $0xFFFFE700  }
0x2e: {  	s18 =	simm.s32 $0x2580;
	[bflag:$0x0] =	sbarrier.arrive $0xFFFF  }
0x2f: {  	[tilespmem:s18], [sflag:$0x1] =	stream.linear.gather [spmem:s3], $0x4000, $0x38;
	[tilespmem:$0x1E580] =	vst v63  }
0x30: {  	s12 =	simm.s32 $0x6580;
	s25 =	rddreg [dreg:$0xe]  }
0x31: {  	[tilespmem:s12], [sflag:$0x2] =	stream.linear.gather [spmem:s25], $0x4000, $0x38;
	[tilespmem:$0x1E580] =	vst v63  }
0x32: {  	s17 =	simm.s32 $0xA580;
	s26 =	rddreg [dreg:$0xf]  }
0x33: {  	[tilespmem:s17], [sflag:$0x3] =	stream.linear.gather [spmem:s26], $0x4000, $0x38;
	[tilespmem:$0x1E580] =	vst v63  }
0x34: {  	s29 =	simm.s32 $0xE580;
	s15 =	simm.s32 $0x1;
	s28 =	rddreg [dreg:$0x10]  }
0x35: {  	[tilespmem:s29], [sflag:$0x4] =	stream.linear.gather [spmem:s28], $0x4000, $0x38;
	[tilespmem:$0x1E580] =	vst v63  }
0x36: {  	_ =	swait.ge [sflag:s15], $0x4000  }
0x37: {  	s21 =	simm.s32 $0x200;
	[sflag:s15] =	ssyncset.done $0x0  }
0x38: {  	s16 =	simm.s32 $0x2;
	s9 =	sand.u32 $0xFF80, s21;
	[sflag:s15] =	ssyncadd.s32 $0xFFFFC000  }
0x39: {  	[tilespmem:s18], [sflag:$0x8] =	stream.indirect.gather.add.f32 [hbm:s0], $0x80, s4, s19, $0xb8;
	[tilespmem:$0x1E580] =	vst v63  }
0x3a: {  	s9 =	smul.u32 $0x147B, s9;
	_ =	swait.ge [sflag:s16], $0x4000  }
0x3b: {  	[sflag:s16] =	ssyncset.done $0x0  }
0x3c: {  	s20 =	simm.s32 $0x3;
	s9 =	sshrl.u32 s9, $0x14;
	[sflag:s16] =	ssyncadd.s32 $0xFFFFC000  }
0x3d: {  	[tilespmem:s12], [sflag:$0x9] =	stream.indirect.gather.add.f32 [hbm:s0], $0x80, s19, s19, $0xb8;
	[tilespmem:$0x1E580] =	vst v63  }
0x3e: {  	p1 =	por $0x1, $0x1;
	s9 =	smul.u32 $0xC8, s9;
	_ =	swait.ge [sflag:s20], $0x4000  }
0x3f: {  	s10 =	simm.s32 @!p1 $0x13;
	[sflag:s20] =	ssyncset.done $0x0  }
0x40: {  	s23 =	simm.s32 $0x100;
	s9 =	ssub.s32 $0x200, s9;
	[sflag:s20] =	ssyncadd.s32 $0xFFFFC000  }
0x41: {  	[tilespmem:s17], [sflag:$0xA] =	stream.indirect.gather.add.f32 [hbm:s0], $0x80, s23, s19, $0xb8;
	[tilespmem:$0x1E580] =	vst v63  }
0x42: {  	s9 =	sand.u32 $0xFFF8, s9;
	_ =	swait.ge @!p1 [sflag:s10], $0x4000  }
0x43: {  	s13 =	simm.s32 $0x12580;
	s9 =	sshll.u32 s9, $0x7;
	[sflag:s10] =	ssyncset.done @!p1 $0x0  }
0x44: {  	s24 =	simm.s32 $0x280;
	s9 =	sadd.s32 s9, s3;
	[sflag:s10] =	ssyncadd.s32 @!p1 $0xFFFFC000  }
0x45: {  	[tilespmem:s13], [sflag:$0x5] =	stream.linear.gather [spmem:s9], $0x4000, $0x38;
	[tilespmem:$0x1E580] =	vst v63  }
0x46: {  	s14 =	simm.s32 $0x4;
	s9 =	sand.u32 $0xFF80, s24  }
0x47: {  	_ =	swait.ge [sflag:s14], $0x4000;
	s9 =	smul.u32 $0x147B, s9  }
0x48: {  	s25 =	simm.s32 $0x180;
	[sflag:s14] =	ssyncset.done $0x0  }
0x49: {  	s26 =	simm.s32 $0x8;
	[sflag:s14] =	ssyncadd.s32 $0xFFFFC000;
	s9 =	sshrl.u32 s9, $0x14  }
0x4a: {  	[tilespmem:s29], [sflag:$0xB] =	stream.indirect.gather.add.f32 [hbm:s0], $0x80, s25, s19, $0xb8;
	[tilespmem:$0x1E580] =	vst v63  }
0x4b: {  	s9 =	smul.u32 $0xC8, s9;
	_ =	swait.ge [sflag:s26], $0x4000  }
0x4c: {  	s11 =	simm.s32 @!p1 $0x14;
	s28 =	rddreg [dreg:$0x6];
	[sflag:s26] =	ssyncset.done $0x0  }
0x4d: {  	s9 =	ssub.s32 $0x280, s9;
	[sflag:s26] =	ssyncadd.s32 $0xFFFFC000;
	s10 =	sadd.s32 $0x0, s28  }
0x4e: {  	[hbm4b:s10+s4] =	stream.linear.scatter [tilespmem:s18], [sflag:$0xF], $0x4000, $0x38;
	[tilespmem:$0x1E580] =	vst v63  }
0x4f: {  	s15 =	simm.s32 $0x5;
	s9 =	sand.u32 $0xFFF8, s9;
	_ =	swait.ge @!p1 [sflag:s11], $0x4000  }
0x50: {  	s29 =	simm.s32 $0x16580;
	s9 =	sshll.u32 s9, $0x7;
	[sflag:s11] =	ssyncset.done @!p1 $0x0  }
0x51: {  	s9 =	sadd.s32 s9, s3;
	[sflag:s11] =	ssyncadd.s32 @!p1 $0xFFFFC000;
	s11 =	simm.s32 $0x300  }
0x52: {  	[tilespmem:s29], [sflag:$0x6] =	stream.linear.gather [spmem:s9], $0x4000, $0x38;
	[tilespmem:$0x1E580] =	vst v63  }
0x53: {  	s16 =	simm.s32 $0x200;
	s20 =	simm.s32 $0x9;
	s9 =	sand.u32 $0xFF80, s11  }
0x54: {  	s23 =	simm.s32 $0x380;
	_ =	swait.ge [sflag:s15], $0x4000;
	s9 =	smul.u32 $0x147B, s9  }
0x55: {  	s24 =	simm.s32 $0x6;
	s25 =	simm.s32 $0x280;
	[sflag:s15] =	ssyncset.done $0x0  }
0x56: {  	s28 =	simm.s32 $0x300;
	[sflag:s15] =	ssyncadd.s32 $0xFFFFC000;
	s9 =	sshrl.u32 s9, $0x14  }
0x57: {  	[tilespmem:s13], [sflag:$0xC] =	stream.indirect.gather.add.f32 [hbm:s0], $0x80, s16, s19, $0xb8;
	[tilespmem:$0x1E580] =	vst v63  }
0x58: {  	s11 =	simm.s32 @!p1 $0x15;
	s9 =	smul.u32 $0xC8, s9;
	_ =	swait.ge [sflag:s20], $0x4000  }
0x59: {  	s13 =	simm.s32 $0x480;
	s21 =	rddreg [dreg:$0xc];
	[sflag:s20] =	ssyncset.done $0x0  }
0x5a: {  	s9 =	ssub.s32 $0x300, s9;
	[sflag:s20] =	ssyncadd.s32 $0xFFFFC000;
	s10 =	sadd.s32 $0x0, s21  }
0x5b: {  	[hbm4b:s10+s4] =	stream.linear.scatter [tilespmem:s12], [sflag:$0x10], $0x4000, $0x38;
	[tilespmem:$0x1E580] =	vst v63  }
0x5c: {  	s9 =	sand.u32 $0xFFF8, s9;
	s20 =	simm.s32 $0x1A580;
	s10 =	sand.u32 $0xFF80, s23  }
0x5d: {  	s9 =	sshll.u32 s9, $0x7;
	_ =	swait.ge @!p1 [sflag:s11], $0x4000;
	s10 =	smul.u32 $0x147B, s10  }
0x5e: {  	s21 =	simm.s32 $0x7000;
	s9 =	sadd.s32 s9, s3;
	[sflag:s11] =	ssyncset.done @!p1 $0x0  }
0x5f: {  	[sflag:s11] =	ssyncadd.s32 @!p1 $0xFFFFC000;
	s10 =	sshrl.u32 s10, $0x14;
	p1 =	por $0x0, $0x0  }
0x60: {  	[tilespmem:s20], [sflag:$0x7] =	stream.linear.gather [spmem:s9], $0x4000, $0x38;
	[tilespmem:$0x1E580] =	vst v63  }
0x61: {  	s9 =	simm.s32 $0x3800;
	s10 =	smul.u32 $0xC8, s10;
	s12 =	simm.s32 @!p1 $0x400  }
0x62: {  	s15 =	simm.s32 @!p1 $0x500;
	s14 =	simm.s32 @!p1 $0x480;
	_ =	swait.ge [sflag:s24], $0x4000  }
0x63: {  	s12 =	sand.u32 @!p1 $0xFF80, s12;
	s16 =	sand.u32 @!p1 $0xFFF8, s15;
	[sflag:s24] =	ssyncset.done $0x0  }
0x64: {  	s10 =	ssub.s32 $0x380, s10;
	s12 =	smul.u32 @!p1 $0x147B, s12;
	[sflag:s24] =	ssyncadd.s32 $0xFFFFC000  }
0x65: {  	[tilespmem:s29], [sflag:$0xD] =	stream.indirect.gather.add.f32 [hbm:s0], $0x80, s25, s19, $0xb8;
	[tilespmem:$0x1E580] =	vst v63  }
0x66: {  	s16 =	sshrl.u32 @!p1 s16, $0x3;
	s10 =	sand.u32 $0xFFF8, s10;
	_ =	swait.ge [sflag:s2], $0x4000  }
0x67: {  	s16 =	smul.u32 @!p1 $0x147B, s16;
	s26 =	rddreg [dreg:$0xb];
	[sflag:s2] =	ssyncset.done $0x0  }
0x68: {  	s10 =	sshll.u32 s10, $0x7;
	[sflag:s2] =	ssyncadd.s32 $0xFFFFC000;
	s11 =	sadd.s32 $0x0, s26  }
0x69: {  	[hbm4b:s11+s4] =	stream.linear.scatter [tilespmem:s17], [sflag:$0x11], $0x4000, $0x38;
	[tilespmem:$0x1E580] =	vst v63  }
0x6a: {  	s12 =	sshrl.u32 @!p1 s12, $0x14;
	s10 =	sadd.s32 s10, s3;
	_ =	swait.ge [sflag:s22], $0x4000  }
0x6b: {  	s11 =	sand.u32 @!p1 $0xFF80, s14;
	s17 =	smul.u32 @!p1 $0xC8, s12;
	[sflag:s22] =	ssyncset.done $0x0  }
0x6c: {  	s12 =	simm.s32 $0x10;
	s11 =	smul.u32 @!p1 $0x147B, s11;
	[sflag:s22] =	ssyncadd.s32 $0xFFFFC000  }
0x6d: {  	[tilespmem:s18], [sflag:$0x1] =	stream.linear.gather [spmem:s10], $0x4000, $0x38;
	[tilespmem:$0x1E580] =	vst v63  }
0x6e: {  	s18 =	ssub.s32 @!p1 $0x400, s17;
	s17 =	sshrl.u32 @!p1 s11, $0x14;
	_ =	swait.ge [sflag:s1], $0x4000  }
0x6f: {  	s11 =	sand.u32 @!p1 $0xFFF8, s18;
	s18 =	simm.s32 $0x580;
	[sflag:s1] =	ssyncset.done $0x0  }
0x70: {  	s10 =	simm.s32 $0x800;
	s29 =	sand.u32 $0xFF80, s18;
	[sflag:s1] =	ssyncadd.s32 $0xFFFFC000  }
0x71: {  	[tilespmem:s20], [sflag:$0xE] =	stream.indirect.gather.add.f32 [hbm:s0], $0x80, s28, s19, $0xb8;
	[tilespmem:$0x1E580] =	vst v63  }
0x72: {  	s24 =	sshll.u32 @!p1 s11, $0x7;
	s11 =	simm.s32 $0x0;
	_ =	swait.ge [sflag:s5], $0x4000  }
0x73: {  	s23 =	smul.u32 $0x147B, s29;
	s20 =	simm.s32 $0x0;
	s25 =	rddreg [dreg:$0x9]  }
.LBB2_2:
0x74: {  	_ = 	snop  }
0x75: {  	[sflag:s5] =	ssyncset.done $0x0;
	s28 =	simm.s32 @!p1 $0x10;
	s23 =	sshrl.u32 s23, $0x14  }
0x76: {  	s25 =	sadd.s32 s20, s25;
	[sflag:s5] =	ssyncadd.s32 $0xFFFFC000;
	s23 =	smul.u32 $0xC8, s23  }
0x77: {  	[hbm4b:s25+s4] =	stream.linear.scatter [tilespmem:s30], [sflag:$0x12], $0x4000, $0x38;
	[tilespmem:$0x1E580] =	vst v63  }
0x78: {  	s26 =	smul.u32 @!p1 $0xC8, s17;
	s24 =	sadd.s32 @!p1 s24, s3;
	_ =	swait.ge @!p1 [sflag:s28], $0x4000  }
0x79: {  	s25 =	simm.s32 $0x1;
	s18 =	ssub.s32 s18, s23;
	[sflag:s28] =	ssyncset.done @!p1 $0x0  }
0x7a: {  	s29 =	sand.u32 $0xFFF8, s18;
	s18 =	simm.s32 @!p1 $0x6580;
	[sflag:s28] =	ssyncadd.s32 @!p1 $0xFFFFC000  }
0x7b: {  	[tilespmem:s18], [sflag:$0x2] =	stream.linear.gather @!p1 [spmem:s24], $0x4000, $0x38;
	[tilespmem:$0x1E580] =	vst v63  }
0x7c: {  	s16 =	sshrl.u32 @!p1 s16, $0x11;
	_ =	swait.ge [sflag:s25], $0x4000  }
0x7d: {  	s23 =	ssub.s32 @!p1 s14, s26;
	s26 =	sadd.s32 $0xFFFFFF00, s13;
	[sflag:s25] =	ssyncset.done $0x0  }
0x7e: {  	s14 =	sshll.u32 s29, $0x7;
	s29 =	simm.s32 $0x2580;
	[sflag:s25] =	ssyncadd.s32 $0xFFFFC000  }
0x7f: {  	[tilespmem:s29], [sflag:$0x8] =	stream.indirect.gather.add.f32 [hbm:s0], $0x80, s26, s19, $0xb8;
	[tilespmem:$0x1E580] =	vst v63  }
0x80: {  	s23 =	sand.u32 @!p1 $0xFFF8, s23;
	s28 =	sadd.s32 $0xFFFFFFFC, s12;
	_ =	swait.ge [sflag:s6], $0x4000  }
0x81: {  	s25 =	sshll.u32 s28, $0x7;
	s24 =	rddreg [dreg:$0xa];
	[sflag:s6] =	ssyncset.done $0x0  }
0x82: {  	s26 =	simm.s32 @!p1 $0x11;
	[sflag:s6] =	ssyncadd.s32 $0xFFFFC000;
	s24 =	sadd.s32 s20, s24  }
0x83: {  	[hbm4b:s24+s4] =	stream.linear.scatter [tilespmem:s31], [sflag:$0x13], $0x4000, $0x38;
	[tilespmem:$0x1E580] =	vst v63  }
0x84: {  	s23 =	sshll.u32 @!p1 s23, $0x7;
	s28 =	sand.u32 $0xFF80, s25;
	_ =	swait.ge @!p1 [sflag:s26], $0x4000  }
0x85: {  	s23 =	sadd.s32 @!p1 s23, s3;
	s24 =	smul.u32 $0x147B, s28;
	[sflag:s26] =	ssyncset.done @!p1 $0x0  }
0x86: {  	s28 =	simm.s32 @!p1 $0x2;
	[sflag:s26] =	ssyncadd.s32 @!p1 $0xFFFFC000;
	s26 =	simm.s32 @!p1 $0xA580  }
0x87: {  	[tilespmem:s26], [sflag:$0x3] =	stream.linear.gather @!p1 [spmem:s23], $0x4000, $0x38;
	[tilespmem:$0x1E580] =	vst v63  }
0x88: {  	s16 =	smul.u32 @!p1 $0xC8, s16;
	s24 =	sshrl.u32 s24, $0x14;
	_ =	swait.ge @!p1 [sflag:s28], $0x4000  }
0x89: {  	s23 =	smul.u32 $0xC8, s24;
	[sflag:s28] =	ssyncset.done @!p1 $0x0  }
0x8a: {  	s24 =	sadd.s32 @!p1 $0xFFFFFF80, s13;
	[sflag:s28] =	ssyncadd.s32 @!p1 $0xFFFFC000;
	s28 =	simm.s32 @!p1 $0x80  }
0x8b: {  	[tilespmem:s18], [sflag:$0x9] =	stream.indirect.gather.add.f32 @!p1 [hbm:s0], $0x80, s24, s28, $0xb8;
	[tilespmem:$0x1E580] =	vst v63  }
0x8c: {  	s24 =	ssub.s32 s25, s23  }
0x8d: {  	s15 =	ssub.s32 @!p1 s15, s16;
	_ =	swait.ge [sflag:s7], $0x4000;
	s18 =	sand.u32 $0xFFF8, s24  }
0x8e: {  	s24 =	simm.s32 @!p1 $0x12;
	s25 =	rddreg [dreg:$0x8];
	[sflag:s7] =	ssyncset.done $0x0  }
0x8f: {  	s23 =	sadd.s32 s20, s25;
	[sflag:s7] =	ssyncadd.s32 $0xFFFFC000;
	s25 =	simm.s32 $0x16580  }
0x90: {  	[hbm4b:s23+s4] =	stream.linear.scatter [tilespmem:s25], [sflag:$0x14], $0x4000, $0x38;
	[tilespmem:$0x1E580] =	vst v63  }
0x91: {  	s15 =	sand.u32 @!p1 $0xFFFF, s15;
	_ =	swait.ge @!p1 [sflag:s24], $0x4000  }
0x92: {  	s16 =	simm.s32 @!p1 $0x3;
	s15 =	sshll.u32 @!p1 s15, $0x7;
	[sflag:s24] =	ssyncset.done @!p1 $0x0  }
0x93: {  	s15 =	sadd.s32 @!p1 s15, s3;
	s23 =	simm.s32 @!p1 $0xE580;
	[sflag:s24] =	ssyncadd.s32 @!p1 $0xFFFFC000  }
0x94: {  	[tilespmem:s23], [sflag:$0x4] =	stream.linear.gather @!p1 [spmem:s15], $0x4000, $0x38;
	[tilespmem:$0x1E580] =	vst v63  }
0x95: {  	_ =	swait.ge @!p1 [sflag:s16], $0x4000  }
0x96: {  	[sflag:s16] =	ssyncset.done @!p1 $0x0  }
0x97: {  	[sflag:s16] =	ssyncadd.s32 @!p1 $0xFFFFC000  }
0x98: {  	[tilespmem:s26], [sflag:$0xA] =	stream.indirect.gather.add.f32 @!p1 [hbm:s0], $0x80, s13, s28, $0xb8;
	[tilespmem:$0x1E580] =	vst v63  }
0x99: {  	p1 =	seq.s32 s9, $0x0;
	_ =	swait.ge [sflag:s8], $0x4000  }
0x9a: {  	s28 =	simm.s32 $0x1A580;
	[sflag:s8] =	ssyncset.done $0x0;
	s24 =	rddreg [dreg:$0x7]  }
0x9b: {  	s16 =	simm.s32 @!p1 $0x13;
	[sflag:s8] =	ssyncadd.s32 $0xFFFFC000;
	s15 =	sadd.s32 s20, s24  }
0x9c: {  	[hbm4b:s15+s4] =	stream.linear.scatter [tilespmem:s28], [sflag:$0x15], $0x4000, $0x38;
	[tilespmem:$0x1E580] =	vst v63  }
0x9d: {  	s17 =	smov.u32 s21;
	s26 =	sadd.s32 $0xFFFFFFFD, s12;
	_ =	swait.ge @!p1 [sflag:s16], $0x4000  }
0x9e: {  	s14 =	sadd.s32 s14, s3;
	s15 =	sshll.u32 s26, $0x7;
	[sflag:s16] =	ssyncset.done @!p1 $0x0  }
0x9f: {  	s20 =	smov.u32 s9;
	s24 =	sand.u32 $0xFF80, s15;
	[sflag:s16] =	ssyncadd.s32 @!p1 $0xFFFFC000  }
0xa0: {  	[tilespmem:s31], [sflag:$0x5] =	stream.linear.gather [spmem:s14], $0x4000, $0x38;
	[tilespmem:$0x1E580] =	vst v63  }
0xa1: {  	s9 =	smov.u32 s17;
	s26 =	smul.u32 $0x147B, s24;
	s14 =	simm.s32 $0x4  }
0xa2: {  	s24 =	sadd.s32 $0xFFFFFD00, s10;
	s16 =	simm.s32 $0x8;
	_ =	swait.ge [sflag:s14], $0x4000  }
0xa3: {  	s17 =	sshrl.u32 s26, $0x14;
	s26 =	sshll.u32 s12, $0x7;
	[sflag:s14] =	ssyncset.done $0x0  }
0xa4: {  	[sflag:s14] =	ssyncadd.s32 $0xFFFFC000;
	s14 =	smul.u32 $0xC8, s17;
	s17 =	sadd.s32 $0xFFFFFF00, s26  }
0xa5: {  	[tilespmem:s30], [sflag:$0xB] =	stream.indirect.gather.add.f32 [hbm:s0], $0x80, s24, s19, $0xb8;
	[tilespmem:$0x1E580] =	vst v63  }
0xa6: {  	s23 =	sand.u32 $0xFF80, s17;
	_ =	swait.ge [sflag:s16], $0x4000;
	s14 =	ssub.s32 s15, s14  }
0xa7: {  	s15 =	smul.u32 $0x147B, s23;
	s26 =	rddreg [dreg:$0x6];
	[sflag:s16] =	ssyncset.done $0x0  }
0xa8: {  	s23 =	simm.s32 @!p1 $0x14;
	[sflag:s16] =	ssyncadd.s32 $0xFFFFC000;
	s16 =	sadd.s32 s20, s26  }
0xa9: {  	[hbm4b:s16+s4] =	stream.linear.scatter [tilespmem:s29], [sflag:$0xF], $0x4000, $0x38;
	[tilespmem:$0x1E580] =	vst v63  }
0xaa: {  	s18 =	sshll.u32 s18, $0x7;
	_ =	swait.ge @!p1 [sflag:s23], $0x4000  }
0xab: {  	s24 =	sadd.s32 s18, s3;
	[sflag:s23] =	ssyncset.done @!p1 $0x0  }
0xac: {  	s15 =	sshrl.u32 s15, $0x14;
	s26 =	simm.s32 $0x5;
	[sflag:s23] =	ssyncadd.s32 @!p1 $0xFFFFC000  }
0xad: {  	[tilespmem:s25], [sflag:$0x6] =	stream.linear.gather [spmem:s24], $0x4000, $0x38;
	[tilespmem:$0x1E580] =	vst v63  }
0xae: {  	s11 =	sadd.s32 $0x380, s11;
	s15 =	smul.u32 $0xC8, s15;
	_ =	swait.ge [sflag:s26], $0x4000  }
0xaf: {  	s21 =	sadd.s32 $0x3800, s21;
	s18 =	sadd.s32 $0xFFFFFD80, s10;
	[sflag:s26] =	ssyncset.done $0x0  }
0xb0: {  	s15 =	ssub.s32 s17, s15;
	s23 =	simm.s32 $0x9;
	[sflag:s26] =	ssyncadd.s32 $0xFFFFC000  }
0xb1: {  	[tilespmem:s31], [sflag:$0xC] =	stream.indirect.gather.add.f32 [hbm:s0], $0x80, s18, s19, $0xb8;
	[tilespmem:$0x1E580] =	vst v63  }
0xb2: {  	s17 =	simm.s32 @!p1 $0x15;
	s15 =	sand.u32 $0xFFF8, s15;
	_ =	swait.ge [sflag:s23], $0x4000  }
0xb3: {  	s16 =	sshll.u32 s15, $0x7;
	s24 =	rddreg [dreg:$0xc];
	[sflag:s23] =	ssyncset.done $0x0  }
0xb4: {  	s26 =	simm.s32 $0x6580;
	[sflag:s23] =	ssyncadd.s32 $0xFFFFC000;
	s15 =	sadd.s32 s20, s24  }
0xb5: {  	[hbm4b:s15+s4] =	stream.linear.scatter [tilespmem:s26], [sflag:$0x10], $0x4000, $0x38;
	[tilespmem:$0x1E580] =	vst v63  }
0xb6: {  	p2 =	sne.s32 s21, $0x18800;
	s14 =	sand.u32 $0xFFF8, s14;
	_ =	swait.ge @!p1 [sflag:s17], $0x4000  }
0xb7: {  	s13 =	smov.u32 s10;
	s14 =	sshll.u32 s14, $0x7;
	[sflag:s17] =	ssyncset.done @!p1 $0x0  }
0xb8: {  	s14 =	sadd.s32 s14, s3;
	[sflag:s17] =	ssyncadd.s32 @!p1 $0xFFFFC000;
	p1 =	seq.s32 s20, $0x15000  }
0xb9: {  	[tilespmem:s28], [sflag:$0x7] =	stream.linear.gather [spmem:s14], $0x4000, $0x38;
	[tilespmem:$0x1E580] =	vst v63  }
0xba: {  	s16 =	sadd.s32 s16, s3;
	s18 =	simm.s32 $0x6;
	s15 =	sadd.s32 @!p1 $0x500, s11  }
0xbb: {  	s23 =	sadd.s32 $0xFFFFFE00, s10;
	_ =	swait.ge [sflag:s18], $0x4000;
	s24 =	sand.u32 @!p1 $0xFFF8, s15  }
0xbc: {  	s14 =	sadd.s32 $0xFFFFFFFF, s12;
	[sflag:s18] =	ssyncset.done $0x0;
	s26 =	sshrl.u32 @!p1 s24, $0x3  }
0xbd: {  	s24 =	simm.s32 $0xA580;
	[sflag:s18] =	ssyncadd.s32 $0xFFFFC000;
	s18 =	sshll.u32 @!p1 s14, $0x7  }
0xbe: {  	[tilespmem:s25], [sflag:$0xD] =	stream.indirect.gather.add.f32 [hbm:s0], $0x80, s23, s19, $0xb8;
	[tilespmem:$0x1E580] =	vst v63  }
0xbf: {  	s14 =	sshll.u32 @!p1 s12, $0x7;
	s12 =	sadd.s32 $0x7, s12;
	_ =	swait.ge [sflag:s2], $0x4000  }
0xc0: {  	s23 =	sand.u32 @!p1 $0xFF80, s18;
	s17 =	rddreg [dreg:$0xb];
	[sflag:s2] =	ssyncset.done $0x0  }
0xc1: {  	s23 =	smul.u32 @!p1 $0x147B, s23;
	[sflag:s2] =	ssyncadd.s32 $0xFFFFC000;
	s17 =	sadd.s32 s20, s17  }
0xc2: {  	[hbm4b:s17+s4] =	stream.linear.scatter [tilespmem:s24], [sflag:$0x11], $0x4000, $0x38;
	[tilespmem:$0x1E580] =	vst v63  }
0xc3: {  	s25 =	sand.u32 @!p1 $0xFF80, s14;
	s17 =	sshrl.u32 @!p1 s23, $0x14;
	_ =	swait.ge [sflag:s22], $0x4000  }
0xc4: {  	s23 =	smul.u32 @!p1 $0x147B, s25;
	s25 =	sadd.s32 $0xFFFFFE80, s10;
	[sflag:s22] =	ssyncset.done $0x0  }
0xc5: {  	s24 =	sadd.s32 $0xFFFFFFFB, s12;
	s17 =	smul.u32 @!p1 $0xC8, s17;
	[sflag:s22] =	ssyncadd.s32 $0xFFFFC000  }
0xc6: {  	[tilespmem:s29], [sflag:$0x1] =	stream.linear.gather [spmem:s16], $0x4000, $0x38;
	[tilespmem:$0x1E580] =	vst v63  }
0xc7: {  	s10 =	sadd.s32 $0x380, s10;
	s16 =	ssub.s32 @!p1 s18, s17;
	_ =	swait.ge [sflag:s1], $0x4000  }
.Ltmp0:
0xc8: {  	s18 =	sshll.u32 s24, $0x7;
	[sflag:s1] =	ssyncset.done $0x0;
	(pc) =	sbr.rel @p2 .LBB2_2-.Ltmp0, $4  }
0xc9: {  	s16 =	sand.u32 @!p1 $0xFFF8, s16;
	s29 =	sand.u32 $0xFF80, s18;
	[sflag:s1] =	ssyncadd.s32 $0xFFFFC000  }
0xca: {  	[tilespmem:s28], [sflag:$0xE] =	stream.indirect.gather.add.f32 [hbm:s0], $0x80, s25, s19, $0xb8;
	[tilespmem:$0x1E580] =	vst v63  }
0xcb: {  	s24 =	sshll.u32 @!p1 s16, $0x7;
	s16 =	smul.u32 @!p1 $0x147B, s26;
	_ =	swait.ge [sflag:s5], $0x4000  }
0xcc: {  	s17 =	sshrl.u32 @!p1 s23, $0x14;
	s23 =	smul.u32 $0x147B, s29;
	s25 =	rddreg [dreg:$0x9]  }
0xcd: {  	[sflag:s5] =	ssyncset.done $0x0  }
0xce: {  	s21 =	sadd.s32 s20, s25;
	s26 =	simm.s32 $0xE580;
	[sflag:s5] =	ssyncadd.s32 $0xFFFFC000  }
0xcf: {  	[hbm4b:s21+s4] =	stream.linear.scatter [tilespmem:s26], [sflag:$0x12], $0x4000, $0x38;
	[tilespmem:$0x1E580] =	vst v63  }
0xd0: {  	s21 =	simm.s32 @!p1 $0x10  }
0xd1: {  	_ =	swait.ge @!p1 [sflag:s21], $0x4000  }
0xd2: {  	s24 =	sadd.s32 @!p1 s24, s3;
	[sflag:s21] =	ssyncset.done @!p1 $0x0  }
0xd3: {  	s28 =	simm.s32 $0x1;
	[sflag:s21] =	ssyncadd.s32 @!p1 $0xFFFFC000;
	s21 =	simm.s32 @!p1 $0x6580  }
0xd4: {  	[tilespmem:s21], [sflag:$0x2] =	stream.linear.gather @!p1 [spmem:s24], $0x4000, $0x38;
	[tilespmem:$0x1E580] =	vst v63  }
0xd5: {  	_ =	swait.ge [sflag:s28], $0x4000  }
0xd6: {  	s29 =	sadd.s32 $0xFFFFFF00, s13;
	[sflag:s28] =	ssyncset.done $0x0  }
0xd7: {  	s25 =	simm.s32 $0x2580;
	s17 =	smul.u32 @!p1 $0xC8, s17;
	[sflag:s28] =	ssyncadd.s32 $0xFFFFC000  }
0xd8: {  	[tilespmem:s25], [sflag:$0x8] =	stream.indirect.gather.add.f32 [hbm:s0], $0x80, s29, s19, $0xb8;
	[tilespmem:$0x1E580] =	vst v63  }
0xd9: {  	s14 =	ssub.s32 @!p1 s14, s17;
	s17 =	simm.s32 @!p1 $0x11;
	_ =	swait.ge [sflag:s6], $0x4000  }
0xda: {  	s14 =	sand.u32 @!p1 $0xFFF8, s14;
	s29 =	rddreg [dreg:$0xa];
	[sflag:s6] =	ssyncset.done $0x0  }
0xdb: {  	[sflag:s6] =	ssyncadd.s32 $0xFFFFC000;
	s24 =	sadd.s32 s20, s29;
	s29 =	simm.s32 $0x12580  }
0xdc: {  	[hbm4b:s24+s4] =	stream.linear.scatter [tilespmem:s29], [sflag:$0x13], $0x4000, $0x38;
	[tilespmem:$0x1E580] =	vst v63  }
0xdd: {  	s14 =	sshll.u32 @!p1 s14, $0x7;
	_ =	swait.ge @!p1 [sflag:s17], $0x4000  }
0xde: {  	s14 =	sadd.s32 @!p1 s14, s3;
	[sflag:s17] =	ssyncset.done @!p1 $0x0  }
0xdf: {  	s24 =	simm.s32 @!p1 $0x2;
	[sflag:s17] =	ssyncadd.s32 @!p1 $0xFFFFC000;
	s17 =	simm.s32 @!p1 $0xA580  }
0xe0: {  	[tilespmem:s17], [sflag:$0x3] =	stream.linear.gather @!p1 [spmem:s14], $0x4000, $0x38;
	[tilespmem:$0x1E580] =	vst v63  }
0xe1: {  	_ =	swait.ge @!p1 [sflag:s24], $0x4000  }
0xe2: {  	[sflag:s24] =	ssyncset.done @!p1 $0x0  }
0xe3: {  	s14 =	sadd.s32 @!p1 $0xFFFFFF80, s13;
	[sflag:s24] =	ssyncadd.s32 @!p1 $0xFFFFC000;
	s24 =	simm.s32 @!p1 $0x80  }
0xe4: {  	[tilespmem:s21], [sflag:$0x9] =	stream.indirect.gather.add.f32 @!p1 [hbm:s0], $0x80, s14, s24, $0xb8;
	[tilespmem:$0x1E580] =	vst v63  }
0xe5: {  	s16 =	sshrl.u32 @!p1 s16, $0x11;
	_ =	swait.ge [sflag:s7], $0x4000  }
0xe6: {  	s16 =	smul.u32 @!p1 $0xC8, s16;
	s21 =	rddreg [dreg:$0x8];
	[sflag:s7] =	ssyncset.done $0x0  }
0xe7: {  	s14 =	sadd.s32 s20, s21;
	[sflag:s7] =	ssyncadd.s32 $0xFFFFC000;
	s21 =	simm.s32 $0x16580  }
0xe8: {  	[hbm4b:s14+s4] =	stream.linear.scatter [tilespmem:s21], [sflag:$0x14], $0x4000, $0x38;
	[tilespmem:$0x1E580] =	vst v63  }
0xe9: {  	s14 =	ssub.s32 @!p1 s15, s16;
	s15 =	simm.s32 @!p1 $0x12  }
0xea: {  	_ =	swait.ge @!p1 [sflag:s15], $0x4000;
	s14 =	sand.u32 @!p1 $0xFFFF, s14  }
0xeb: {  	[sflag:s15] =	ssyncset.done @!p1 $0x0;
	s14 =	sshll.u32 @!p1 s14, $0x7  }
0xec: {  	[sflag:s15] =	ssyncadd.s32 @!p1 $0xFFFFC000;
	s14 =	sadd.s32 @!p1 s14, s3;
	s15 =	simm.s32 @!p1 $0xE580  }
0xed: {  	[tilespmem:s15], [sflag:$0x4] =	stream.linear.gather @!p1 [spmem:s14], $0x4000, $0x38;
	[tilespmem:$0x1E580] =	vst v63  }
0xee: {  	s14 =	simm.s32 @!p1 $0x3  }
0xef: {  	_ =	swait.ge @!p1 [sflag:s14], $0x4000  }
0xf0: {  	[sflag:s14] =	ssyncset.done @!p1 $0x0  }
0xf1: {  	s16 =	sshrl.u32 s23, $0x14;
	[sflag:s14] =	ssyncadd.s32 @!p1 $0xFFFFC000  }
0xf2: {  	[tilespmem:s17], [sflag:$0xA] =	stream.indirect.gather.add.f32 @!p1 [hbm:s0], $0x80, s13, s24, $0xb8;
	[tilespmem:$0x1E580] =	vst v63  }
0xf3: {  	s13 =	smul.u32 $0xC8, s16;
	p1 =	seq.s32 s9, $0x0  }
0xf4: {  	s23 =	sadd.s32 $0xFFFFFFFC, s12;
	_ =	swait.ge [sflag:s8], $0x4000;
	s15 =	simm.s32 @!p1 $0x13  }
0xf5: {  	s17 =	rddreg [dreg:$0x7];
	s13 =	ssub.s32 s18, s13;
	[sflag:s8] =	ssyncset.done $0x0  }
0xf6: {  	s18 =	simm.s32 $0x1A580;
	[sflag:s8] =	ssyncadd.s32 $0xFFFFC000;
	s14 =	sadd.s32 s20, s17  }
0xf7: {  	[hbm4b:s14+s4] =	stream.linear.scatter [tilespmem:s18], [sflag:$0x15], $0x4000, $0x38;
	[tilespmem:$0x1E580] =	vst v63  }
0xf8: {  	s24 =	sshll.u32 s23, $0x7;
	s13 =	sand.u32 $0xFFF8, s13;
	_ =	swait.ge @!p1 [sflag:s15], $0x4000  }
0xf9: {  	s13 =	sshll.u32 s13, $0x7;
	s14 =	sand.u32 $0xFF80, s24;
	[sflag:s15] =	ssyncset.done @!p1 $0x0  }
0xfa: {  	s13 =	sadd.s32 s13, s3;
	[sflag:s15] =	ssyncadd.s32 @!p1 $0xFFFFC000;
	s15 =	simm.s32 $0x4  }
0xfb: {  	[tilespmem:s29], [sflag:$0x5] =	stream.linear.gather [spmem:s13], $0x4000, $0x38;
	[tilespmem:$0x1E580] =	vst v63  }
0xfc: {  	s14 =	smul.u32 $0x147B, s14;
	_ =	swait.ge [sflag:s15], $0x4000  }
0xfd: {  	[sflag:s15] =	ssyncset.done $0x0  }
0xfe: {  	s17 =	sadd.s32 $0xFFFFFD00, s10;
	s14 =	sshrl.u32 s14, $0x14;
	[sflag:s15] =	ssyncadd.s32 $0xFFFFC000  }
0xff: {  	[tilespmem:s26], [sflag:$0xB] =	stream.indirect.gather.add.f32 [hbm:s0], $0x80, s17, s19, $0xb8;
	[tilespmem:$0x1E580] =	vst v63  }
0x100: {  	s14 =	smul.u32 $0xC8, s14;
	s17 =	simm.s32 $0x8  }
0x101: {  	_ =	swait.ge [sflag:s17], $0x4000  }
0x102: {  	s13 =	ssub.s32 s24, s14;
	s20 =	rddreg [dreg:$0x6];
	[sflag:s17] =	ssyncset.done $0x0  }
0x103: {  	s14 =	simm.s32 @!p1 $0x14;
	[sflag:s17] =	ssyncadd.s32 $0xFFFFC000;
	s15 =	sadd.s32 s9, s20  }
0x104: {  	[hbm4b:s15+s4] =	stream.linear.scatter [tilespmem:s25], [sflag:$0xF], $0x4000, $0x38;
	[tilespmem:$0x1E580] =	vst v63  }
0x105: {  	s13 =	sand.u32 $0xFFF8, s13;
	_ =	swait.ge @!p1 [sflag:s14], $0x4000  }
0x106: {  	s23 =	sadd.s32 $0xFFFFFFFD, s12;
	s13 =	sshll.u32 s13, $0x7;
	[sflag:s14] =	ssyncset.done @!p1 $0x0  }
0x107: {  	s24 =	simm.s32 $0x5;
	s13 =	sadd.s32 s13, s3;
	[sflag:s14] =	ssyncadd.s32 @!p1 $0xFFFFC000  }
0x108: {  	[tilespmem:s21], [sflag:$0x6] =	stream.linear.gather [spmem:s13], $0x4000, $0x38;
	[tilespmem:$0x1E580] =	vst v63  }
0x109: {  	s13 =	sshll.u32 s23, $0x7;
	_ =	swait.ge [sflag:s24], $0x4000  }
0x10a: {  	s16 =	sand.u32 $0xFF80, s13;
	[sflag:s24] =	ssyncset.done $0x0  }
0x10b: {  	s20 =	sadd.s32 $0xFFFFFD80, s10;
	s14 =	smul.u32 $0x147B, s16;
	[sflag:s24] =	ssyncadd.s32 $0xFFFFC000  }
0x10c: {  	[tilespmem:s29], [sflag:$0xC] =	stream.indirect.gather.add.f32 [hbm:s0], $0x80, s20, s19, $0xb8;
	[tilespmem:$0x1E580] =	vst v63  }
0x10d: {  	s14 =	sshrl.u32 s14, $0x14  }
0x10e: {  	s23 =	simm.s32 $0x9;
	s14 =	smul.u32 $0xC8, s14  }
0x10f: {  	_ =	swait.ge [sflag:s23], $0x4000  }
0x110: {  	s24 =	rddreg [dreg:$0xc];
	[sflag:s23] =	ssyncset.done $0x0;
	s13 =	ssub.s32 s13, s14  }
0x111: {  	[sflag:s23] =	ssyncadd.s32 $0xFFFFC000;
	s20 =	sadd.s32 s9, s24;
	s23 =	simm.s32 $0x6580  }
0x112: {  	[hbm4b:s20+s4] =	stream.linear.scatter [tilespmem:s23], [sflag:$0x10], $0x4000, $0x38;
	[tilespmem:$0x1E580] =	vst v63  }
0x113: {  	s15 =	simm.s32 @!p1 $0x15;
	s24 =	sshll.u32 s12, $0x7;
	s13 =	sand.u32 $0xFFF8, s13  }
0x114: {  	s16 =	sadd.s32 $0xFFFFFF00, s24;
	s20 =	simm.s32 $0x6;
	_ =	swait.ge @!p1 [sflag:s15], $0x4000  }
0x115: {  	s13 =	sshll.u32 s13, $0x7;
	s14 =	sand.u32 $0xFF80, s16;
	[sflag:s15] =	ssyncset.done @!p1 $0x0  }
0x116: {  	s13 =	sadd.s32 s13, s3;
	s14 =	smul.u32 $0x147B, s14;
	[sflag:s15] =	ssyncadd.s32 @!p1 $0xFFFFC000  }
0x117: {  	[tilespmem:s18], [sflag:$0x7] =	stream.linear.gather [spmem:s13], $0x4000, $0x38;
	[tilespmem:$0x1E580] =	vst v63  }
0x118: {  	_ =	swait.ge [sflag:s20], $0x4000  }
0x119: {  	s14 =	sshrl.u32 s14, $0x14;
	[sflag:s20] =	ssyncset.done $0x0  }
0x11a: {  	s23 =	sadd.s32 $0xFFFFFE00, s10;
	s14 =	smul.u32 $0xC8, s14;
	[sflag:s20] =	ssyncadd.s32 $0xFFFFC000  }
0x11b: {  	[tilespmem:s21], [sflag:$0xD] =	stream.indirect.gather.add.f32 [hbm:s0], $0x80, s23, s19, $0xb8;
	[tilespmem:$0x1E580] =	vst v63  }
0x11c: {  	_ =	swait.ge [sflag:s2], $0x4000  }
0x11d: {  	s13 =	ssub.s32 s16, s14;
	s24 =	rddreg [dreg:$0xb];
	[sflag:s2] =	ssyncset.done $0x0  }
0x11e: {  	s20 =	simm.s32 $0xA580;
	[sflag:s2] =	ssyncadd.s32 $0xFFFFC000;
	s16 =	sadd.s32 s9, s24  }
0x11f: {  	[hbm4b:s16+s4] =	stream.linear.scatter [tilespmem:s20], [sflag:$0x11], $0x4000, $0x38;
	[tilespmem:$0x1E580] =	vst v63  }
0x120: {  	s13 =	sand.u32 $0xFFF8, s13;
	_ =	swait.ge [sflag:s22], $0x4000  }
0x121: {  	p1 =	seq.s32 s9, $0x15000;
	s13 =	sshll.u32 s13, $0x7;
	[sflag:s22] =	ssyncset.done $0x0  }
0x122: {  	s14 =	sadd.s32 $0xFFFFFFFF, s12;
	s13 =	sadd.s32 s13, s3;
	[sflag:s22] =	ssyncadd.s32 $0xFFFFC000  }
0x123: {  	[tilespmem:s25], [sflag:$0x1] =	stream.linear.gather [spmem:s13], $0x4000, $0x38;
	[tilespmem:$0x1E580] =	vst v63  }
0x124: {  	s13 =	sshll.u32 @!p1 s14, $0x7;
	_ =	swait.ge [sflag:s1], $0x4000  }
0x125: {  	s14 =	sand.u32 @!p1 $0xFF80, s13;
	[sflag:s1] =	ssyncset.done $0x0  }
0x126: {  	s23 =	sadd.s32 $0xFFFFFE80, s10;
	s14 =	smul.u32 @!p1 $0x147B, s14;
	[sflag:s1] =	ssyncadd.s32 $0xFFFFC000  }
0x127: {  	[tilespmem:s18], [sflag:$0xE] =	stream.indirect.gather.add.f32 [hbm:s0], $0x80, s23, s19, $0xb8;
	[tilespmem:$0x1E580] =	vst v63  }
0x128: {  	s14 =	sshrl.u32 @!p1 s14, $0x14  }
0x129: {  	s14 =	smul.u32 @!p1 $0xC8, s14  }
0x12a: {  	_ =	swait.ge [sflag:s5], $0x4000  }
0x12b: {  	s24 =	rddreg [dreg:$0x9];
	[sflag:s5] =	ssyncset.done $0x0;
	s13 =	ssub.s32 @!p1 s13, s14  }
0x12c: {  	s14 =	simm.s32 @!p1 $0x10;
	[sflag:s5] =	ssyncadd.s32 $0xFFFFC000;
	s15 =	sadd.s32 s9, s24  }
0x12d: {  	[hbm4b:s15+s4] =	stream.linear.scatter [tilespmem:s26], [sflag:$0x12], $0x4000, $0x38;
	[tilespmem:$0x1E580] =	vst v63  }
0x12e: {  	s12 =	sshll.u32 @!p1 s12, $0x7;
	s13 =	sand.u32 @!p1 $0xFFF8, s13;
	_ =	swait.ge @!p1 [sflag:s14], $0x4000  }
0x12f: {  	s15 =	sand.u32 @!p1 $0xFF80, s12;
	s13 =	sshll.u32 @!p1 s13, $0x7;
	[sflag:s14] =	ssyncset.done @!p1 $0x0  }
0x130: {  	s13 =	sadd.s32 @!p1 s13, s3;
	[sflag:s14] =	ssyncadd.s32 @!p1 $0xFFFFC000;
	s14 =	simm.s32 @!p1 $0x6580  }
0x131: {  	[tilespmem:s14], [sflag:$0x2] =	stream.linear.gather @!p1 [spmem:s13], $0x4000, $0x38;
	[tilespmem:$0x1E580] =	vst v63  }
0x132: {  	s13 =	smul.u32 @!p1 $0x147B, s15  }
0x133: {  	_ =	swait.ge [sflag:s28], $0x4000  }
0x134: {  	[sflag:s28] =	ssyncset.done $0x0;
	s13 =	sshrl.u32 @!p1 s13, $0x14  }
0x135: {  	s26 =	sadd.s32 $0xFFFFFF00, s10;
	[sflag:s28] =	ssyncadd.s32 $0xFFFFC000;
	s13 =	smul.u32 @!p1 $0xC8, s13  }
0x136: {  	[tilespmem:s25], [sflag:$0x8] =	stream.indirect.gather.add.f32 [hbm:s0], $0x80, s26, s19, $0xb8;
	[tilespmem:$0x1E580] =	vst v63  }
0x137: {  	_ =	swait.ge [sflag:s6], $0x4000;
	s12 =	ssub.s32 @!p1 s12, s13  }
0x138: {  	s13 =	simm.s32 @!p1 $0x11;
	s28 =	rddreg [dreg:$0xa];
	[sflag:s6] =	ssyncset.done $0x0  }
0x139: {  	s12 =	sand.u32 @!p1 $0xFFF8, s12;
	[sflag:s6] =	ssyncadd.s32 $0xFFFFC000;
	s15 =	sadd.s32 s9, s28  }
0x13a: {  	[hbm4b:s15+s4] =	stream.linear.scatter [tilespmem:s29], [sflag:$0x13], $0x4000, $0x38;
	[tilespmem:$0x1E580] =	vst v63  }
0x13b: {  	s12 =	sshll.u32 @!p1 s12, $0x7;
	_ =	swait.ge @!p1 [sflag:s13], $0x4000  }
0x13c: {  	s12 =	sadd.s32 @!p1 s12, s3;
	[sflag:s13] =	ssyncset.done @!p1 $0x0  }
0x13d: {  	s15 =	simm.s32 @!p1 $0x2;
	[sflag:s13] =	ssyncadd.s32 @!p1 $0xFFFFC000;
	s13 =	simm.s32 @!p1 $0xA580  }
0x13e: {  	[tilespmem:s13], [sflag:$0x3] =	stream.linear.gather @!p1 [spmem:s12], $0x4000, $0x38;
	[tilespmem:$0x1E580] =	vst v63  }
0x13f: {  	s11 =	sadd.s32 $0x380, s11;
	_ =	swait.ge @!p1 [sflag:s15], $0x4000  }
0x140: {  	s11 =	sadd.s32 @!p1 $0x500, s11;
	[sflag:s15] =	ssyncset.done @!p1 $0x0  }
0x141: {  	s12 =	sadd.s32 @!p1 $0xFFFFFF80, s10;
	[sflag:s15] =	ssyncadd.s32 @!p1 $0xFFFFC000;
	s15 =	simm.s32 @!p1 $0x80  }
0x142: {  	[tilespmem:s14], [sflag:$0x9] =	stream.indirect.gather.add.f32 @!p1 [hbm:s0], $0x80, s12, s15, $0xb8;
	[tilespmem:$0x1E580] =	vst v63  }
0x143: {  	s12 =	sand.u32 @!p1 $0xFFF8, s11  }
0x144: {  	s12 =	sshrl.u32 @!p1 s12, $0x3  }
0x145: {  	s12 =	smul.u32 @!p1 $0x147B, s12  }
0x146: {  	_ =	swait.ge [sflag:s7], $0x4000  }
0x147: {  	s29 =	rddreg [dreg:$0x8];
	[sflag:s7] =	ssyncset.done $0x0;
	s12 =	sshrl.u32 @!p1 s12, $0x11  }
0x148: {  	s14 =	sadd.s32 s9, s29;
	[sflag:s7] =	ssyncadd.s32 $0xFFFFC000;
	s12 =	smul.u32 @!p1 $0xC8, s12  }
0x149: {  	[hbm4b:s14+s4] =	stream.linear.scatter [tilespmem:s21], [sflag:$0x14], $0x4000, $0x38;
	[tilespmem:$0x1E580] =	vst v63  }
0x14a: {  	s11 =	ssub.s32 @!p1 s11, s12;
	s12 =	simm.s32 @!p1 $0x12  }
0x14b: {  	_ =	swait.ge @!p1 [sflag:s12], $0x4000;
	s11 =	sand.u32 @!p1 $0xFFFF, s11  }
0x14c: {  	[sflag:s12] =	ssyncset.done @!p1 $0x0;
	s11 =	sshll.u32 @!p1 s11, $0x7  }
0x14d: {  	[sflag:s12] =	ssyncadd.s32 @!p1 $0xFFFFC000;
	s11 =	sadd.s32 @!p1 s11, s3;
	s12 =	simm.s32 @!p1 $0xE580  }
0x14e: {  	[tilespmem:s12], [sflag:$0x4] =	stream.linear.gather @!p1 [spmem:s11], $0x4000, $0x38;
	[tilespmem:$0x1E580] =	vst v63  }
0x14f: {  	s11 =	simm.s32 @!p1 $0x3  }
0x150: {  	_ =	swait.ge @!p1 [sflag:s11], $0x4000  }
0x151: {  	[sflag:s11] =	ssyncset.done @!p1 $0x0  }
0x152: {  	[sflag:s11] =	ssyncadd.s32 @!p1 $0xFFFFC000  }
0x153: {  	[tilespmem:s13], [sflag:$0xA] =	stream.indirect.gather.add.f32 @!p1 [hbm:s0], $0x80, s10, s15, $0xb8;
	[tilespmem:$0x1E580] =	vst v63  }
0x154: {  	_ =	swait.ge [sflag:s8], $0x4000  }
0x155: {  	s15 =	rddreg [dreg:$0x7];
	[sflag:s8] =	ssyncset.done $0x0  }
0x156: {  	s16 =	sadd.s32 s9, s15;
	[sflag:s8] =	ssyncadd.s32 $0xFFFFC000  }
0x157: {  	[hbm4b:s16+s4] =	stream.linear.scatter [tilespmem:s18], [sflag:$0x15], $0x4000, $0x38;
	[tilespmem:$0x1E580] =	vst v63  }
0x158: {  	_ =	swait.ge [sflag:s17], $0x4000  }
0x159: {  	[sflag:s17] =	ssyncset.done $0x0  }
0x15a: {  	s20 =	simm.s32 $0x10;
	s18 =	rddreg [dreg:$0x11];
	[sflag:s17] =	ssyncadd.s32 $0xFFFFC000  }
0x15b: {  	[hbm4b:s18+s4] =	stream.linear.scatter [tilespmem:s25], [sflag:$0xF], $0x4000, $0x38;
	[tilespmem:$0x1E580] =	vst v63  }
0x15c: {  	_ =	swait.ge [sflag:s20], $0x4000  }
0x15d: {  	[sflag:s20] =	ssyncset.done $0x0  }
0x15e: {  	s21 =	simm.s32 $0x11;
	[sflag:s20] =	ssyncadd.s32 $0xFFFFC000  }
0x15f: {  	_ =	swait.ge [sflag:s21], $0x4000  }
0x160: {  	[sflag:s21] =	ssyncset.done $0x0  }
0x161: {  	s23 =	simm.s32 $0x12;
	[sflag:s21] =	ssyncadd.s32 $0xFFFFC000  }
0x162: {  	_ =	swait.ge [sflag:s23], $0x4000  }
0x163: {  	[sflag:s23] =	ssyncset.done $0x0  }
0x164: {  	s24 =	simm.s32 $0x13;
	[sflag:s23] =	ssyncadd.s32 $0xFFFFC000  }
0x165: {  	_ =	swait.ge [sflag:s24], $0x4000  }
0x166: {  	[sflag:s24] =	ssyncset.done $0x0  }
0x167: {  	s25 =	simm.s32 $0x14;
	[sflag:s24] =	ssyncadd.s32 $0xFFFFC000  }
0x168: {  	_ =	swait.ge [sflag:s25], $0x4000  }
0x169: {  	[sflag:s25] =	ssyncset.done $0x0  }
0x16a: {  	s26 =	simm.s32 $0x15;
	[sflag:s25] =	ssyncadd.s32 $0xFFFFC000  }
0x16b: {  	_ =	swait.ge [sflag:s26], $0x4000  }
0x16c: {  	[sflag:s26] =	ssyncset.done $0x0  }
0x16d: {  	[sflag:s26] =	ssyncadd.s32 $0xFFFFC000  }
0x16e: {  	_ =	swait.ge [sflag:s22], $0x4000  }
0x16f: {  	s28 =	rddreg [dreg:$0x15]  }
0x170: {  	s29 =	rddreg [dreg:$0x12];
	s10 =	sadd.s32 $0x1, s28  }
0x171: {  	p1 =	sne.s32 s10, s29  }
.Ltmp1:
0x172: {  	_ = 	snop;
	(pc) =	sbr.rel @p1 .LBB2_1-.Ltmp1, $3  }
0x173: {  	_ =	sdelay $0x1  }
0x174: {  	[sflag:s22] =	ssyncset.done $0x0  }
0x175: {  	[sflag:s22] =	ssyncadd.s32 $0xFFFFC000  }
0x176: {  	_ =	sfence.sel $0x180000  }
0x177: {  	[bflag:$0x0] =	sbarrier.arrive $0xFFFF  }
0x178: {  	_ =	strace $0x90000047  }
0x179: {  	[bflag:$0x2] =	sbarrier.arrive $0xFFFF  }
0x17a: {  	s0 =	rddreg [dreg:$0x5]  }
0x17b: {  	s0 =	sadd.s32 @!p0 $0x100000, s0  }
0x17c: {  	[sflag:s0] =	ssyncadd.tile.s32 @!p0 $0x1;
	_ =	shalt  }
.Lfunc_end2:
_tile_overlayer_lowered:
.L_overlay_start_2:
0x17d: {  	(tag) =	ssettag $0x2  }
0x17e: {  	s0 =	rddreg [dreg:$0x0];
	s2 =	stileid.u32  }
0x17f: {  	s1 =	rddreg [dreg:$0x1];
	p0 =	sne.s32 s2, $0x0  }
0x180: {  	s3 =	rddreg [dreg:$0x2];
	[bflag:$0x3] =	sbarrier.arrive $0xFFFF;
	s2 =	simm.s32 @!p0 $0x1C16  }
0x181: {  	[timem:s3], [sflag:s2] =	dma.local @!p0 [hbm:s0], s1  }
0x182: {  	s0 =	simm.s32 @!p0 $0x16  }
0x183: {  	_ =	swait.ge @!p0 [sflag:s0], s1  }
0x184: {  	s1 =	ssub.s32 @!p0 $0x0, s1;
	[sflag:s0] =	ssyncset.done @!p0 $0x0  }
0x185: {  	[sflag:s0] =	ssyncadd.s32 @!p0 s1  }
0x186: {  	[bflag:$0x3] =	sbarrier.arrive $0xFFFF  }
0x187: {  	_ =	shalt  }

</sc_bundles>
